<compile_context>
chip_gen: v7x
topology: tpu7x:2x2x1
jax: 0.10.2.dev20260603
libtpu: 0.0.44.dev20260713+nightly
codegen_flags: <defaults>
</compile_context>

<pallas_src>
import functools

import jax
import jax.numpy as jnp
from jax import lax
from jax.experimental import pallas as pl
from jax.experimental.pallas import tpu as pltpu
from jax.experimental.pallas import tpu_sc as plsc

NUM_FEATURES = 128
NUM_DOMAINS = 1000
BATCH = 16384

_LANES = 16
_CHUNK = 128


def _film_body(x_hbm, ids_hbm, gamma_hbm, beta_hbm, out_hbm,
               idx_v, g_v, b_v, x_v, sem_g, sem_b, sem_x, sem_o,
               *, rows_per_w, num_cores):
    wid = lax.axis_index("s") * num_cores + lax.axis_index("c")
    base = wid * rows_per_w
    nchunk = rows_per_w // _CHUNK

    pltpu.sync_copy(ids_hbm.at[pl.ds(base, rows_per_w)], idx_v)

    def start_in(c, p):
        idx_c = idx_v.at[pl.ds(c * _CHUNK, _CHUNK)]
        cg = pltpu.async_copy(gamma_hbm.at[idx_c], g_v.at[p], sem_g.at[p])
        cb = pltpu.async_copy(beta_hbm.at[idx_c], b_v.at[p], sem_b.at[p])
        cx = pltpu.async_copy(x_hbm.at[pl.ds(base + c * _CHUNK, _CHUNK), :],
                              x_v.at[p], sem_x.at[p])
        return cg, cb, cx

    pend = {0: start_in(0, 0)}
    out_pend = {}
    for c in range(nchunk):
        p = c % 2
        if c + 1 < nchunk:
            if c - 1 in out_pend:
                out_pend.pop(c - 1).wait()
            pend[c + 1] = start_in(c + 1, (c + 1) % 2)
        for cp in pend.pop(c):
            cp.wait()

        def row(r, _):
            for j in range(NUM_FEATURES // _LANES):
                s = pl.ds(j * _LANES, _LANES)
                x_v[p, r, s] = g_v[p, r, s] * x_v[p, r, s] + b_v[p, r, s]
            return 0

        lax.fori_loop(0, _CHUNK, row, 0, unroll=False)
        out_pend[c] = pltpu.async_copy(
            x_v.at[p], out_hbm.at[pl.ds(base + c * _CHUNK, _CHUNK), :], sem_o.at[p])
    for cp in out_pend.values():
        cp.wait()


@jax.jit
def _film(x, ids, gamma, beta):
    info = plsc.get_sparse_core_info()
    nc, ns = info.num_cores, info.num_subcores
    nw = nc * ns
    rows_per_w = BATCH // nw
    mesh = plsc.VectorSubcoreMesh(core_axis_name="c", subcore_axis_name="s")

    kern = pl.kernel(
        functools.partial(_film_body, rows_per_w=rows_per_w, num_cores=nc),
        out_type=jax.ShapeDtypeStruct((BATCH, NUM_FEATURES), jnp.float32),
        mesh=mesh,
        scratch_types=[
            pltpu.VMEM((rows_per_w,), jnp.int32),
            pltpu.VMEM((2, _CHUNK, NUM_FEATURES), jnp.float32),
            pltpu.VMEM((2, _CHUNK, NUM_FEATURES), jnp.float32),
            pltpu.VMEM((2, _CHUNK, NUM_FEATURES), jnp.float32),
            pltpu.SemaphoreType.DMA((2,)),
            pltpu.SemaphoreType.DMA((2,)),
            pltpu.SemaphoreType.DMA((2,)),
            pltpu.SemaphoreType.DMA((2,)),
        ],
    )
    return kern(x, ids, gamma, beta)


def kernel(x, domain_ids, gamma, beta):
    return _film(x, domain_ids.astype(jnp.int32), gamma, beta)

# --- scband reference (transcript-rebuilt; emitter-appended) ---
"""Pipeline reference for scband-fi-lm-89593017794753 (READ-ONLY COPY).

The authoritative reference and input builder live on the scoring server;
editing this copy changes nothing except your own understanding.
"""

import jax, jax.numpy as jnp
import numpy as np

NUM_FEATURES = 128
NUM_DOMAINS = 1000
BATCH = 16384


def setup_inputs(seed: int = 0) -> dict:
    key = jax.random.key(seed)
    k_x, k_ids = jax.random.split(key, 2)
    x = jax.random.normal(k_x, (BATCH, NUM_FEATURES), dtype=jnp.float32)
    domain_ids = jax.random.randint(k_ids, (BATCH,), 0, NUM_DOMAINS, dtype=jnp.int64 if jax.config.jax_enable_x64 else jnp.int32)
    gamma = jnp.ones((NUM_DOMAINS, NUM_FEATURES), dtype=jnp.float32)
    beta = jnp.zeros((NUM_DOMAINS, NUM_FEATURES), dtype=jnp.float32)
    return {"x": x, "domain_ids": domain_ids, "gamma": gamma, "beta": beta}


def reference(x, domain_ids, gamma, beta):
    ids = domain_ids.astype(jnp.int32)
    g = jnp.take(gamma, ids, axis=0)  # [B, F] gather
    b = jnp.take(beta, ids, axis=0)   # [B, F] gather
    return g * x + b

if __name__ == "__main__":
    import jax
    _d = setup_inputs()
    print(jax.jit(kernel)(*tuple(_d.values())))

</pallas_src>

<mosaic_0001>
#map = affine_map<(d0, d1) -> (0, 0)>
#map1 = affine_map<(d0, d1) -> (0)>
module attributes {stable_mosaic.version = 14 : i64} {
  func.func @_film_body(%arg0: i32, %arg1: i32, %arg2: memref<16384x128xf32, #tpu.memory_space<hbm>>, %arg3: memref<16384xi32, #tpu.memory_space<hbm>>, %arg4: memref<1000x128xf32, #tpu.memory_space<hbm>>, %arg5: memref<1000x128xf32, #tpu.memory_space<hbm>>, %arg6: memref<16384x128xf32, #tpu.memory_space<hbm>>, %arg7: memref<512xi32, #tpu.memory_space<vmem>>, %arg8: memref<2x128x128xf32, #tpu.memory_space<vmem>>, %arg9: memref<2x128x128xf32, #tpu.memory_space<vmem>>, %arg10: memref<2x128x128xf32, #tpu.memory_space<vmem>>, %arg11: memref<2x!tpu.dma_semaphore, #tpu.memory_space<semaphore_mem>>, %arg12: memref<2x!tpu.dma_semaphore, #tpu.memory_space<semaphore_mem>>, %arg13: memref<2x!tpu.dma_semaphore, #tpu.memory_space<semaphore_mem>>, %arg14: memref<2x!tpu.dma_semaphore, #tpu.memory_space<semaphore_mem>>) attributes {dimension_semantics = [#tpu.dimension_semantics<core_parallel>, #tpu.dimension_semantics<subcore_parallel>], iteration_bounds = array<i64: 2, 16>, scalar_prefetch = 0 : i64, scratch_operands = 8 : i64, tpu.core_type = #tpu.core_type<sc_vector_subcore>, window_params = [{transform_indices = #map}, {transform_indices = #map1}, {transform_indices = #map}, {transform_indices = #map}, {transform_indices = #map}]} {
    %mul3A = arith.constant 2 : i32
    %mul3A_0 = arith.muli %arg1, %mul3A : i32
    %add3A = arith.addi %mul3A_0, %arg0 : i32
    %mul3A_1 = arith.constant 512 : i32
    %mul3A_2 = arith.muli %add3A, %mul3A_1 : i32
    "tpu.region"() ({
      %run_scoped3A = tpu.sem_alloc : memref<!tpu.dma_semaphore, #tpu.memory_space<semaphore_mem>>
      %dma_start3A_508 = tpu.memref_slice %arg3[%mul3A_2] : memref<16384xi32, #tpu.memory_space<hbm>> -> memref<512xi32, #tpu.memory_space<hbm>>
      %dma_start3A_509 = tpu.memref_slice %arg3[%mul3A_2] : memref<16384xi32, #tpu.memory_space<hbm>> -> memref<512xi32, #tpu.memory_space<hbm>>
      tpu.enqueue_dma source(%dma_start3A_509 : memref<512xi32, #tpu.memory_space<hbm>>) target(%arg7 : memref<512xi32, #tpu.memory_space<vmem>>) target_semaphore(%run_scoped3A : memref<!tpu.dma_semaphore, #tpu.memory_space<semaphore_mem>>)
      %dma_wait3A_510 = tpu.memref_slice %arg3[%mul3A_2] : memref<16384xi32, #tpu.memory_space<hbm>> -> memref<512xi32, #tpu.memory_space<hbm>>
      %dma_wait3A_511 = tpu.memref_slice %arg3[%mul3A_2] : memref<16384xi32, #tpu.memory_space<hbm>> -> memref<512xi32, #tpu.memory_space<hbm>>
      tpu.wait_dma2 semaphore(%run_scoped3A : memref<!tpu.dma_semaphore, #tpu.memory_space<semaphore_mem>>) src(%dma_wait3A_511 : memref<512xi32, #tpu.memory_space<hbm>>) dst(%arg7 : memref<512xi32, #tpu.memory_space<vmem>>)
      tpu.yield
    }) : () -> ()
    %dma_start3A = arith.constant 0 : i32
    %dma_start3A_3 = arith.constant 0 : i32
    %dma_start3A_4 = arith.constant 0 : i32
    %dma_start3A_5 = arith.constant 0 : i32
    %dma_start3A_6 = tpu.memref_slice %arg8[%dma_start3A, %dma_start3A_4, %dma_start3A_5] : memref<2x128x128xf32, #tpu.memory_space<vmem>> -> memref<1x128x128xf32, #tpu.memory_space<vmem>>
    %dma_start3A_7 = tpu.memref_squeeze %dma_start3A_6 : memref<1x128x128xf32, #tpu.memory_space<vmem>> -> memref<128x128xf32, #tpu.memory_space<vmem>>
    %dma_start3A_8 = arith.constant 0 : i32
    %dma_start3A_9 = tpu.memref_slice %arg7[%dma_start3A_8] : memref<512xi32, #tpu.memory_space<vmem>> -> memref<128xi32, #tpu.memory_space<vmem>>
    %dma_start3A_10 = arith.constant 0 : i32
    %dma_start3A_11 = arith.constant 0 : i32
    %dma_start3A_12 = tpu.memref_slice %arg4[%dma_start3A_10, %dma_start3A_11] : memref<1000x128xf32, #tpu.memory_space<hbm>> -> memref<1000x128xf32, #tpu.memory_space<hbm>>
    %dma_start3A_13 = tpu.memref_slice %arg11[%dma_start3A_3] : memref<2x!tpu.dma_semaphore, #tpu.memory_space<semaphore_mem>> -> memref<1x!tpu.dma_semaphore, #tpu.memory_space<semaphore_mem>>
    %dma_start3A_14 = tpu.memref_squeeze %dma_start3A_13 : memref<1x!tpu.dma_semaphore, #tpu.memory_space<semaphore_mem>> -> memref<!tpu.dma_semaphore, #tpu.memory_space<semaphore_mem>>
    tpu.enqueue_indirect_dma source(%dma_start3A_12 : memref<1000x128xf32, #tpu.memory_space<hbm>>) target(%dma_start3A_7 : memref<128x128xf32, #tpu.memory_space<vmem>>) offsets(%dma_start3A_9 : memref<128xi32, #tpu.memory_space<vmem>>) semaphore(%dma_start3A_14 : memref<!tpu.dma_semaphore, #tpu.memory_space<semaphore_mem>>)
    %dma_start3A_15 = arith.constant 0 : i32
    %dma_start3A_16 = arith.constant 0 : i32
    %dma_start3A_17 = arith.constant 0 : i32
    %dma_start3A_18 = arith.constant 0 : i32
    %dma_start3A_19 = tpu.memref_slice %arg9[%dma_start3A_15, %dma_start3A_17, %dma_start3A_18] : memref<2x128x128xf32, #tpu.memory_space<vmem>> -> memref<1x128x128xf32, #tpu.memory_space<vmem>>
    %dma_start3A_20 = tpu.memref_squeeze %dma_start3A_19 : memref<1x128x128xf32, #tpu.memory_space<vmem>> -> memref<128x128xf32, #tpu.memory_space<vmem>>
    %dma_start3A_21 = arith.constant 0 : i32
    %dma_start3A_22 = tpu.memref_slice %arg7[%dma_start3A_21] : memref<512xi32, #tpu.memory_space<vmem>> -> memref<128xi32, #tpu.memory_space<vmem>>
    %dma_start3A_23 = arith.constant 0 : i32
    %dma_start3A_24 = arith.constant 0 : i32
    %dma_start3A_25 = tpu.memref_slice %arg5[%dma_start3A_23, %dma_start3A_24] : memref<1000x128xf32, #tpu.memory_space<hbm>> -> memref<1000x128xf32, #tpu.memory_space<hbm>>
    %dma_start3A_26 = tpu.memref_slice %arg12[%dma_start3A_16] : memref<2x!tpu.dma_semaphore, #tpu.memory_space<semaphore_mem>> -> memref<1x!tpu.dma_semaphore, #tpu.memory_space<semaphore_mem>>
    %dma_start3A_27 = tpu.memref_squeeze %dma_start3A_26 : memref<1x!tpu.dma_semaphore, #tpu.memory_space<semaphore_mem>> -> memref<!tpu.dma_semaphore, #tpu.memory_space<semaphore_mem>>
    tpu.enqueue_indirect_dma source(%dma_start3A_25 : memref<1000x128xf32, #tpu.memory_space<hbm>>) target(%dma_start3A_20 : memref<128x128xf32, #tpu.memory_space<vmem>>) offsets(%dma_start3A_22 : memref<128xi32, #tpu.memory_space<vmem>>) semaphore(%dma_start3A_27 : memref<!tpu.dma_semaphore, #tpu.memory_space<semaphore_mem>>)
    %add3A_28 = arith.constant 0 : i32
    %add3A_29 = arith.addi %mul3A_2, %add3A_28 : i32
    %dma_start3A_30 = arith.constant 0 : i32
    %dma_start3A_31 = arith.constant 0 : i32
    %dma_start3A_32 = arith.constant 0 : i32
    %dma_start3A_33 = arith.constant 0 : i32
    %dma_start3A_34 = tpu.memref_slice %arg10[%dma_start3A_30, %dma_start3A_32, %dma_start3A_33] : memref<2x128x128xf32, #tpu.memory_space<vmem>> -> memref<1x128x128xf32, #tpu.memory_space<vmem>>
    %dma_start3A_35 = tpu.memref_squeeze %dma_start3A_34 : memref<1x128x128xf32, #tpu.memory_space<vmem>> -> memref<128x128xf32, #tpu.memory_space<vmem>>
    %dma_start3A_36 = arith.constant 0 : i32
    %dma_start3A_37 = tpu.memref_slice %arg2[%add3A_29, %dma_start3A_36] : memref<16384x128xf32, #tpu.memory_space<hbm>> -> memref<128x128xf32, #tpu.memory_space<hbm>>
    %dma_start3A_38 = tpu.memref_slice %arg13[%dma_start3A_31] : memref<2x!tpu.dma_semaphore, #tpu.memory_space<semaphore_mem>> -> memref<1x!tpu.dma_semaphore, #tpu.memory_space<semaphore_mem>>
    %dma_start3A_39 = tpu.memref_squeeze %dma_start3A_38 : memref<1x!tpu.dma_semaphore, #tpu.memory_space<semaphore_mem>> -> memref<!tpu.dma_semaphore, #tpu.memory_space<semaphore_mem>>
    %dma_start3A_40 = arith.constant 0 : i32
    %dma_start3A_41 = arith.constant 0 : i32
    %dma_start3A_42 = tpu.memref_slice %arg10[%dma_start3A_30, %dma_start3A_40, %dma_start3A_41] : memref<2x128x128xf32, #tpu.memory_space<vmem>> -> memref<1x128x128xf32, #tpu.memory_space<vmem>>
    %dma_start3A_43 = tpu.memref_squeeze %dma_start3A_42 : memref<1x128x128xf32, #tpu.memory_space<vmem>> -> memref<128x128xf32, #tpu.memory_space<vmem>>
    %dma_start3A_44 = arith.constant 0 : i32
    %dma_start3A_45 = tpu.memref_slice %arg2[%add3A_29, %dma_start3A_44] : memref<16384x128xf32, #tpu.memory_space<hbm>> -> memref<128x128xf32, #tpu.memory_space<hbm>>
    tpu.enqueue_dma source(%dma_start3A_45 : memref<128x128xf32, #tpu.memory_space<hbm>>) target(%dma_start3A_43 : memref<128x128xf32, #tpu.memory_space<vmem>>) target_semaphore(%dma_start3A_39 : memref<!tpu.dma_semaphore, #tpu.memory_space<semaphore_mem>>)
    %dma_start3A_46 = arith.constant 1 : i32
    %dma_start3A_47 = arith.constant 1 : i32
    %dma_start3A_48 = arith.constant 0 : i32
    %dma_start3A_49 = arith.constant 0 : i32
    %dma_start3A_50 = tpu.memref_slice %arg8[%dma_start3A_46, %dma_start3A_48, %dma_start3A_49] : memref<2x128x128xf32, #tpu.memory_space<vmem>> -> memref<1x128x128xf32, #tpu.memory_space<vmem>>
    %dma_start3A_51 = tpu.memref_squeeze %dma_start3A_50 : memref<1x128x128xf32, #tpu.memory_space<vmem>> -> memref<128x128xf32, #tpu.memory_space<vmem>>
    %dma_start3A_52 = arith.constant 128 : i32
    %dma_start3A_53 = tpu.memref_slice %arg7[%dma_start3A_52] : memref<512xi32, #tpu.memory_space<vmem>> -> memref<128xi32, #tpu.memory_space<vmem>>
    %dma_start3A_54 = arith.constant 0 : i32
    %dma_start3A_55 = arith.constant 0 : i32
    %dma_start3A_56 = tpu.memref_slice %arg4[%dma_start3A_54, %dma_start3A_55] : memref<1000x128xf32, #tpu.memory_space<hbm>> -> memref<1000x128xf32, #tpu.memory_space<hbm>>
    %dma_start3A_57 = tpu.memref_slice %arg11[%dma_start3A_47] : memref<2x!tpu.dma_semaphore, #tpu.memory_space<semaphore_mem>> -> memref<1x!tpu.dma_semaphore, #tpu.memory_space<semaphore_mem>>
    %dma_start3A_58 = tpu.memref_squeeze %dma_start3A_57 : memref<1x!tpu.dma_semaphore, #tpu.memory_space<semaphore_mem>> -> memref<!tpu.dma_semaphore, #tpu.memory_space<semaphore_mem>>
    tpu.enqueue_indirect_dma source(%dma_start3A_56 : memref<1000x128xf32, #tpu.memory_space<hbm>>) target(%dma_start3A_51 : memref<128x128xf32, #tpu.memory_space<vmem>>) offsets(%dma_start3A_53 : memref<128xi32, #tpu.memory_space<vmem>>) semaphore(%dma_start3A_58 : memref<!tpu.dma_semaphore, #tpu.memory_space<semaphore_mem>>)
    %dma_start3A_59 = arith.constant 1 : i32
    %dma_start3A_60 = arith.constant 1 : i32
    %dma_start3A_61 = arith.constant 0 : i32
    %dma_start3A_62 = arith.constant 0 : i32
    %dma_start3A_63 = tpu.memref_slice %arg9[%dma_start3A_59, %dma_start3A_61, %dma_start3A_62] : memref<2x128x128xf32, #tpu.memory_space<vmem>> -> memref<1x128x128xf32, #tpu.memory_space<vmem>>
    %dma_start3A_64 = tpu.memref_squeeze %dma_start3A_63 : memref<1x128x128xf32, #tpu.memory_space<vmem>> -> memref<128x128xf32, #tpu.memory_space<vmem>>
    %dma_start3A_65 = arith.constant 128 : i32
    %dma_start3A_66 = tpu.memref_slice %arg7[%dma_start3A_65] : memref<512xi32, #tpu.memory_space<vmem>> -> memref<128xi32, #tpu.memory_space<vmem>>
    %dma_start3A_67 = arith.constant 0 : i32
    %dma_start3A_68 = arith.constant 0 : i32
    %dma_start3A_69 = tpu.memref_slice %arg5[%dma_start3A_67, %dma_start3A_68] : memref<1000x128xf32, #tpu.memory_space<hbm>> -> memref<1000x128xf32, #tpu.memory_space<hbm>>
    %dma_start3A_70 = tpu.memref_slice %arg12[%dma_start3A_60] : memref<2x!tpu.dma_semaphore, #tpu.memory_space<semaphore_mem>> -> memref<1x!tpu.dma_semaphore, #tpu.memory_space<semaphore_mem>>
    %dma_start3A_71 = tpu.memref_squeeze %dma_start3A_70 : memref<1x!tpu.dma_semaphore, #tpu.memory_space<semaphore_mem>> -> memref<!tpu.dma_semaphore, #tpu.memory_space<semaphore_mem>>
    tpu.enqueue_indirect_dma source(%dma_start3A_69 : memref<1000x128xf32, #tpu.memory_space<hbm>>) target(%dma_start3A_64 : memref<128x128xf32, #tpu.memory_space<vmem>>) offsets(%dma_start3A_66 : memref<128xi32, #tpu.memory_space<vmem>>) semaphore(%dma_start3A_71 : memref<!tpu.dma_semaphore, #tpu.memory_space<semaphore_mem>>)
    %add3A_72 = arith.constant 128 : i32
    %add3A_73 = arith.addi %mul3A_2, %add3A_72 : i32
    %dma_start3A_74 = arith.constant 1 : i32
    %dma_start3A_75 = arith.constant 1 : i32
    %dma_start3A_76 = arith.constant 0 : i32
    %dma_start3A_77 = arith.constant 0 : i32
    %dma_start3A_78 = tpu.memref_slice %arg10[%dma_start3A_74, %dma_start3A_76, %dma_start3A_77] : memref<2x128x128xf32, #tpu.memory_space<vmem>> -> memref<1x128x128xf32, #tpu.memory_space<vmem>>
    %dma_start3A_79 = tpu.memref_squeeze %dma_start3A_78 : memref<1x128x128xf32, #tpu.memory_space<vmem>> -> memref<128x128xf32, #tpu.memory_space<vmem>>
    %dma_start3A_80 = arith.constant 0 : i32
    %dma_start3A_81 = tpu.memref_slice %arg2[%add3A_73, %dma_start3A_80] : memref<16384x128xf32, #tpu.memory_space<hbm>> -> memref<128x128xf32, #tpu.memory_space<hbm>>
    %dma_start3A_82 = tpu.memref_slice %arg13[%dma_start3A_75] : memref<2x!tpu.dma_semaphore, #tpu.memory_space<semaphore_mem>> -> memref<1x!tpu.dma_semaphore, #tpu.memory_space<semaphore_mem>>
    %dma_start3A_83 = tpu.memref_squeeze %dma_start3A_82 : memref<1x!tpu.dma_semaphore, #tpu.memory_space<semaphore_mem>> -> memref<!tpu.dma_semaphore, #tpu.memory_space<semaphore_mem>>
    %dma_start3A_84 = arith.constant 0 : i32
    %dma_start3A_85 = arith.constant 0 : i32
    %dma_start3A_86 = tpu.memref_slice %arg10[%dma_start3A_74, %dma_start3A_84, %dma_start3A_85] : memref<2x128x128xf32, #tpu.memory_space<vmem>> -> memref<1x128x128xf32, #tpu.memory_space<vmem>>
    %dma_start3A_87 = tpu.memref_squeeze %dma_start3A_86 : memref<1x128x128xf32, #tpu.memory_space<vmem>> -> memref<128x128xf32, #tpu.memory_space<vmem>>
    %dma_start3A_88 = arith.constant 0 : i32
    %dma_start3A_89 = tpu.memref_slice %arg2[%add3A_73, %dma_start3A_88] : memref<16384x128xf32, #tpu.memory_space<hbm>> -> memref<128x128xf32, #tpu.memory_space<hbm>>
    tpu.enqueue_dma source(%dma_start3A_89 : memref<128x128xf32, #tpu.memory_space<hbm>>) target(%dma_start3A_87 : memref<128x128xf32, #tpu.memory_space<vmem>>) target_semaphore(%dma_start3A_83 : memref<!tpu.dma_semaphore, #tpu.memory_space<semaphore_mem>>)
    %dma_wait3A = arith.constant 0 : i32
    %dma_wait3A_90 = arith.constant 0 : i32
    %dma_wait3A_91 = arith.constant 0 : i32
    %dma_wait3A_92 = arith.constant 0 : i32
    %dma_wait3A_93 = tpu.memref_slice %arg8[%dma_wait3A, %dma_wait3A_91, %dma_wait3A_92] : memref<2x128x128xf32, #tpu.memory_space<vmem>> -> memref<1x128x128xf32, #tpu.memory_space<vmem>>
    %dma_wait3A_94 = tpu.memref_squeeze %dma_wait3A_93 : memref<1x128x128xf32, #tpu.memory_space<vmem>> -> memref<128x128xf32, #tpu.memory_space<vmem>>
    %dma_wait3A_95 = arith.constant 0 : i32
    %dma_wait3A_96 = tpu.memref_slice %arg7[%dma_wait3A_95] : memref<512xi32, #tpu.memory_space<vmem>> -> memref<128xi32, #tpu.memory_space<vmem>>
    %dma_wait3A_97 = arith.constant 0 : i32
    %dma_wait3A_98 = arith.constant 0 : i32
    %dma_wait3A_99 = tpu.memref_slice %arg4[%dma_wait3A_97, %dma_wait3A_98] : memref<1000x128xf32, #tpu.memory_space<hbm>> -> memref<1000x128xf32, #tpu.memory_space<hbm>>
    %dma_wait3A_100 = tpu.memref_slice %arg11[%dma_wait3A_90] : memref<2x!tpu.dma_semaphore, #tpu.memory_space<semaphore_mem>> -> memref<1x!tpu.dma_semaphore, #tpu.memory_space<semaphore_mem>>
    %dma_wait3A_101 = tpu.memref_squeeze %dma_wait3A_100 : memref<1x!tpu.dma_semaphore, #tpu.memory_space<semaphore_mem>> -> memref<!tpu.dma_semaphore, #tpu.memory_space<semaphore_mem>>
    tpu.wait_indirect_dma semaphore(%dma_wait3A_101 : memref<!tpu.dma_semaphore, #tpu.memory_space<semaphore_mem>>) src(%dma_wait3A_99 : memref<1000x128xf32, #tpu.memory_space<hbm>>) dst(%dma_wait3A_94 : memref<128x128xf32, #tpu.memory_space<vmem>>)
    %dma_wait3A_102 = arith.constant 0 : i32
    %dma_wait3A_103 = arith.constant 0 : i32
    %dma_wait3A_104 = arith.constant 0 : i32
    %dma_wait3A_105 = arith.constant 0 : i32
    %dma_wait3A_106 = tpu.memref_slice %arg9[%dma_wait3A_102, %dma_wait3A_104, %dma_wait3A_105] : memref<2x128x128xf32, #tpu.memory_space<vmem>> -> memref<1x128x128xf32, #tpu.memory_space<vmem>>
    %dma_wait3A_107 = tpu.memref_squeeze %dma_wait3A_106 : memref<1x128x128xf32, #tpu.memory_space<vmem>> -> memref<128x128xf32, #tpu.memory_space<vmem>>
    %dma_wait3A_108 = arith.constant 0 : i32
    %dma_wait3A_109 = tpu.memref_slice %arg7[%dma_wait3A_108] : memref<512xi32, #tpu.memory_space<vmem>> -> memref<128xi32, #tpu.memory_space<vmem>>
    %dma_wait3A_110 = arith.constant 0 : i32
    %dma_wait3A_111 = arith.constant 0 : i32
    %dma_wait3A_112 = tpu.memref_slice %arg5[%dma_wait3A_110, %dma_wait3A_111] : memref<1000x128xf32, #tpu.memory_space<hbm>> -> memref<1000x128xf32, #tpu.memory_space<hbm>>
    %dma_wait3A_113 = tpu.memref_slice %arg12[%dma_wait3A_103] : memref<2x!tpu.dma_semaphore, #tpu.memory_space<semaphore_mem>> -> memref<1x!tpu.dma_semaphore, #tpu.memory_space<semaphore_mem>>
    %dma_wait3A_114 = tpu.memref_squeeze %dma_wait3A_113 : memref<1x!tpu.dma_semaphore, #tpu.memory_space<semaphore_mem>> -> memref<!tpu.dma_semaphore, #tpu.memory_space<semaphore_mem>>
    tpu.wait_indirect_dma semaphore(%dma_wait3A_114 : memref<!tpu.dma_semaphore, #tpu.memory_space<semaphore_mem>>) src(%dma_wait3A_112 : memref<1000x128xf32, #tpu.memory_space<hbm>>) dst(%dma_wait3A_107 : memref<128x128xf32, #tpu.memory_space<vmem>>)
    %dma_wait3A_115 = arith.constant 0 : i32
    %dma_wait3A_116 = arith.constant 0 : i32
    %dma_wait3A_117 = arith.constant 0 : i32
    %dma_wait3A_118 = arith.constant 0 : i32
    %dma_wait3A_119 = tpu.memref_slice %arg10[%dma_wait3A_115, %dma_wait3A_117, %dma_wait3A_118] : memref<2x128x128xf32, #tpu.memory_space<vmem>> -> memref<1x128x128xf32, #tpu.memory_space<vmem>>
    %dma_wait3A_120 = tpu.memref_squeeze %dma_wait3A_119 : memref<1x128x128xf32, #tpu.memory_space<vmem>> -> memref<128x128xf32, #tpu.memory_space<vmem>>
    %dma_wait3A_121 = arith.constant 0 : i32
    %dma_wait3A_122 = tpu.memref_slice %arg2[%add3A_29, %dma_wait3A_121] : memref<16384x128xf32, #tpu.memory_space<hbm>> -> memref<128x128xf32, #tpu.memory_space<hbm>>
    %dma_wait3A_123 = tpu.memref_slice %arg13[%dma_wait3A_116] : memref<2x!tpu.dma_semaphore, #tpu.memory_space<semaphore_mem>> -> memref<1x!tpu.dma_semaphore, #tpu.memory_space<semaphore_mem>>
    %dma_wait3A_124 = tpu.memref_squeeze %dma_wait3A_123 : memref<1x!tpu.dma_semaphore, #tpu.memory_space<semaphore_mem>> -> memref<!tpu.dma_semaphore, #tpu.memory_space<semaphore_mem>>
    %dma_wait3A_125 = arith.constant 0 : i32
    %dma_wait3A_126 = arith.constant 0 : i32
    %dma_wait3A_127 = tpu.memref_slice %arg10[%dma_wait3A_115, %dma_wait3A_125, %dma_wait3A_126] : memref<2x128x128xf32, #tpu.memory_space<vmem>> -> memref<1x128x128xf32, #tpu.memory_space<vmem>>
    %dma_wait3A_128 = tpu.memref_squeeze %dma_wait3A_127 : memref<1x128x128xf32, #tpu.memory_space<vmem>> -> memref<128x128xf32, #tpu.memory_space<vmem>>
    %dma_wait3A_129 = arith.constant 0 : i32
    %dma_wait3A_130 = tpu.memref_slice %arg2[%add3A_29, %dma_wait3A_129] : memref<16384x128xf32, #tpu.memory_space<hbm>> -> memref<128x128xf32, #tpu.memory_space<hbm>>
    tpu.wait_dma2 semaphore(%dma_wait3A_124 : memref<!tpu.dma_semaphore, #tpu.memory_space<semaphore_mem>>) src(%dma_wait3A_130 : memref<128x128xf32, #tpu.memory_space<hbm>>) dst(%dma_wait3A_128 : memref<128x128xf32, #tpu.memory_space<vmem>>)
    %scan3A = arith.constant 0 : i32
    %scan3A_131 = arith.constant 0 : i32
    %scan3A_132 = arith.constant 128 : i32
    %scan3A_133 = arith.addi %scan3A_131, %scan3A_132 : i32
    %scan3A_134 = arith.constant 1 : i32
    %scan3A_135 = scf.for %scan3A_508 = %scan3A_131 to %scan3A_133 step %scan3A_134 iter_args(%scan3A_509 = %scan3A) -> (i32)  : i32 {
      %get3A = arith.constant 0 : i32
      %get3A_510 = arith.index_cast %get3A : i32 to index
      %get3A_511 = arith.index_cast %scan3A_508 : i32 to index
      %get3A_512 = arith.constant 0 : index
      %get3A_513 = tpu.vector_load %arg8[%get3A_510, %get3A_511, %get3A_512] {strides = array<i32>} : memref<2x128x128xf32, #tpu.memory_space<vmem>>, vector<1x1x16xf32>,
      %get3A_514 = vector.shape_cast %get3A_513 : vector<1x1x16xf32> to vector<16xf32>
      %get3A_515 = arith.constant 0 : i32
      %get3A_516 = arith.index_cast %get3A_515 : i32 to index
      %get3A_517 = arith.index_cast %scan3A_508 : i32 to index
      %get3A_518 = arith.constant 0 : index
      %get3A_519 = tpu.vector_load %arg10[%get3A_516, %get3A_517, %get3A_518] {strides = array<i32>} : memref<2x128x128xf32, #tpu.memory_space<vmem>>, vector<1x1x16xf32>,
      %get3A_520 = vector.shape_cast %get3A_519 : vector<1x1x16xf32> to vector<16xf32>
      %mul3A_521 = arith.mulf %get3A_514, %get3A_520 : vector<16xf32>
      %get3A_522 = arith.constant 0 : i32
      %get3A_523 = arith.index_cast %get3A_522 : i32 to index
      %get3A_524 = arith.index_cast %scan3A_508 : i32 to index
      %get3A_525 = arith.constant 0 : index
      %get3A_526 = tpu.vector_load %arg9[%get3A_523, %get3A_524, %get3A_525] {strides = array<i32>} : memref<2x128x128xf32, #tpu.memory_space<vmem>>, vector<1x1x16xf32>,
      %get3A_527 = vector.shape_cast %get3A_526 : vector<1x1x16xf32> to vector<16xf32>
      %add3A_528 = arith.addf %mul3A_521, %get3A_527 : vector<16xf32>
      %swap3A = arith.constant 0 : i32
      %swap3A_529 = arith.index_cast %swap3A : i32 to index
      %swap3A_530 = arith.index_cast %scan3A_508 : i32 to index
      %swap3A_531 = arith.constant 0 : index
      %swap3A_532 = tpu.vector_load %arg10[%swap3A_529, %swap3A_530, %swap3A_531] {strides = array<i32>} : memref<2x128x128xf32, #tpu.memory_space<vmem>>, vector<1x1x16xf32>,
      %swap3A_533 = vector.shape_cast %swap3A_532 : vector<1x1x16xf32> to vector<16xf32>
      %swap3A_534 = vector.shape_cast %add3A_528 : vector<16xf32> to vector<1x1x16xf32>
      tpu.vector_store %arg10[%swap3A_529, %swap3A_530, %swap3A_531], %swap3A_534 {strides = array<i32>} : memref<2x128x128xf32, #tpu.memory_space<vmem>>, vector<1x1x16xf32>,
      %get3A_535 = arith.constant 0 : i32
      %get3A_536 = arith.index_cast %get3A_535 : i32 to index
      %get3A_537 = arith.index_cast %scan3A_508 : i32 to index
      %get3A_538 = arith.constant 16 : index
      %get3A_539 = tpu.vector_load %arg8[%get3A_536, %get3A_537, %get3A_538] {strides = array<i32>} : memref<2x128x128xf32, #tpu.memory_space<vmem>>, vector<1x1x16xf32>,
      %get3A_540 = vector.shape_cast %get3A_539 : vector<1x1x16xf32> to vector<16xf32>
      %get3A_541 = arith.constant 0 : i32
      %get3A_542 = arith.index_cast %get3A_541 : i32 to index
      %get3A_543 = arith.index_cast %scan3A_508 : i32 to index
      %get3A_544 = arith.constant 16 : index
      %get3A_545 = tpu.vector_load %arg10[%get3A_542, %get3A_543, %get3A_544] {strides = array<i32>} : memref<2x128x128xf32, #tpu.memory_space<vmem>>, vector<1x1x16xf32>,
      %get3A_546 = vector.shape_cast %get3A_545 : vector<1x1x16xf32> to vector<16xf32>
      %mul3A_547 = arith.mulf %get3A_540, %get3A_546 : vector<16xf32>
      %get3A_548 = arith.constant 0 : i32
      %get3A_549 = arith.index_cast %get3A_548 : i32 to index
      %get3A_550 = arith.index_cast %scan3A_508 : i32 to index
      %get3A_551 = arith.constant 16 : index
      %get3A_552 = tpu.vector_load %arg9[%get3A_549, %get3A_550, %get3A_551] {strides = array<i32>} : memref<2x128x128xf32, #tpu.memory_space<vmem>>, vector<1x1x16xf32>,
      %get3A_553 = vector.shape_cast %get3A_552 : vector<1x1x16xf32> to vector<16xf32>
      %add3A_554 = arith.addf %mul3A_547, %get3A_553 : vector<16xf32>
      %swap3A_555 = arith.constant 0 : i32
      %swap3A_556 = arith.index_cast %swap3A_555 : i32 to index
      %swap3A_557 = arith.index_cast %scan3A_508 : i32 to index
      %swap3A_558 = arith.constant 16 : index
      %swap3A_559 = tpu.vector_load %arg10[%swap3A_556, %swap3A_557, %swap3A_558] {strides = array<i32>} : memref<2x128x128xf32, #tpu.memory_space<vmem>>, vector<1x1x16xf32>,
      %swap3A_560 = vector.shape_cast %swap3A_559 : vector<1x1x16xf32> to vector<16xf32>
      %swap3A_561 = vector.shape_cast %add3A_554 : vector<16xf32> to vector<1x1x16xf32>
      tpu.vector_store %arg10[%swap3A_556, %swap3A_557, %swap3A_558], %swap3A_561 {strides = array<i32>} : memref<2x128x128xf32, #tpu.memory_space<vmem>>, vector<1x1x16xf32>,
      %get3A_562 = arith.constant 0 : i32
      %get3A_563 = arith.index_cast %get3A_562 : i32 to index
      %get3A_564 = arith.index_cast %scan3A_508 : i32 to index
      %get3A_565 = arith.constant 32 : index
      %get3A_566 = tpu.vector_load %arg8[%get3A_563, %get3A_564, %get3A_565] {strides = array<i32>} : memref<2x128x128xf32, #tpu.memory_space<vmem>>, vector<1x1x16xf32>,
      %get3A_567 = vector.shape_cast %get3A_566 : vector<1x1x16xf32> to vector<16xf32>
      %get3A_568 = arith.constant 0 : i32
      %get3A_569 = arith.index_cast %get3A_568 : i32 to index
      %get3A_570 = arith.index_cast %scan3A_508 : i32 to index
      %get3A_571 = arith.constant 32 : index
      %get3A_572 = tpu.vector_load %arg10[%get3A_569, %get3A_570, %get3A_571] {strides = array<i32>} : memref<2x128x128xf32, #tpu.memory_space<vmem>>, vector<1x1x16xf32>,
      %get3A_573 = vector.shape_cast %get3A_572 : vector<1x1x16xf32> to vector<16xf32>
      %mul3A_574 = arith.mulf %get3A_567, %get3A_573 : vector<16xf32>
      %get3A_575 = arith.constant 0 : i32
      %get3A_576 = arith.index_cast %get3A_575 : i32 to index
      %get3A_577 = arith.index_cast %scan3A_508 : i32 to index
      %get3A_578 = arith.constant 32 : index
      %get3A_579 = tpu.vector_load %arg9[%get3A_576, %get3A_577, %get3A_578] {strides = array<i32>} : memref<2x128x128xf32, #tpu.memory_space<vmem>>, vector<1x1x16xf32>,
      %get3A_580 = vector.shape_cast %get3A_579 : vector<1x1x16xf32> to vector<16xf32>
      %add3A_581 = arith.addf %mul3A_574, %get3A_580 : vector<16xf32>
      %swap3A_582 = arith.constant 0 : i32
      %swap3A_583 = arith.index_cast %swap3A_582 : i32 to index
      %swap3A_584 = arith.index_cast %scan3A_508 : i32 to index
      %swap3A_585 = arith.constant 32 : index
      %swap3A_586 = tpu.vector_load %arg10[%swap3A_583, %swap3A_584, %swap3A_585] {strides = array<i32>} : memref<2x128x128xf32, #tpu.memory_space<vmem>>, vector<1x1x16xf32>,
      %swap3A_587 = vector.shape_cast %swap3A_586 : vector<1x1x16xf32> to vector<16xf32>
      %swap3A_588 = vector.shape_cast %add3A_581 : vector<16xf32> to vector<1x1x16xf32>
      tpu.vector_store %arg10[%swap3A_583, %swap3A_584, %swap3A_585], %swap3A_588 {strides = array<i32>} : memref<2x128x128xf32, #tpu.memory_space<vmem>>, vector<1x1x16xf32>,
      %get3A_589 = arith.constant 0 : i32
      %get3A_590 = arith.index_cast %get3A_589 : i32 to index
      %get3A_591 = arith.index_cast %scan3A_508 : i32 to index
      %get3A_592 = arith.constant 48 : index
      %get3A_593 = tpu.vector_load %arg8[%get3A_590, %get3A_591, %get3A_592] {strides = array<i32>} : memref<2x128x128xf32, #tpu.memory_space<vmem>>, vector<1x1x16xf32>,
      %get3A_594 = vector.shape_cast %get3A_593 : vector<1x1x16xf32> to vector<16xf32>
      %get3A_595 = arith.constant 0 : i32
      %get3A_596 = arith.index_cast %get3A_595 : i32 to index
      %get3A_597 = arith.index_cast %scan3A_508 : i32 to index
      %get3A_598 = arith.constant 48 : index
      %get3A_599 = tpu.vector_load %arg10[%get3A_596, %get3A_597, %get3A_598] {strides = array<i32>} : memref<2x128x128xf32, #tpu.memory_space<vmem>>, vector<1x1x16xf32>,
      %get3A_600 = vector.shape_cast %get3A_599 : vector<1x1x16xf32> to vector<16xf32>
      %mul3A_601 = arith.mulf %get3A_594, %get3A_600 : vector<16xf32>
      %get3A_602 = arith.constant 0 : i32
      %get3A_603 = arith.index_cast %get3A_602 : i32 to index
      %get3A_604 = arith.index_cast %scan3A_508 : i32 to index
      %get3A_605 = arith.constant 48 : index
      %get3A_606 = tpu.vector_load %arg9[%get3A_603, %get3A_604, %get3A_605] {strides = array<i32>} : memref<2x128x128xf32, #tpu.memory_space<vmem>>, vector<1x1x16xf32>,
      %get3A_607 = vector.shape_cast %get3A_606 : vector<1x1x16xf32> to vector<16xf32>
      %add3A_608 = arith.addf %mul3A_601, %get3A_607 : vector<16xf32>
      %swap3A_609 = arith.constant 0 : i32
      %swap3A_610 = arith.index_cast %swap3A_609 : i32 to index
      %swap3A_611 = arith.index_cast %scan3A_508 : i32 to index
      %swap3A_612 = arith.constant 48 : index
      %swap3A_613 = tpu.vector_load %arg10[%swap3A_610, %swap3A_611, %swap3A_612] {strides = array<i32>} : memref<2x128x128xf32, #tpu.memory_space<vmem>>, vector<1x1x16xf32>,
      %swap3A_614 = vector.shape_cast %swap3A_613 : vector<1x1x16xf32> to vector<16xf32>
      %swap3A_615 = vector.shape_cast %add3A_608 : vector<16xf32> to vector<1x1x16xf32>
      tpu.vector_store %arg10[%swap3A_610, %swap3A_611, %swap3A_612], %swap3A_615 {strides = array<i32>} : memref<2x128x128xf32, #tpu.memory_space<vmem>>, vector<1x1x16xf32>,
      %get3A_616 = arith.constant 0 : i32
      %get3A_617 = arith.index_cast %get3A_616 : i32 to index
      %get3A_618 = arith.index_cast %scan3A_508 : i32 to index
      %get3A_619 = arith.constant 64 : index
      %get3A_620 = tpu.vector_load %arg8[%get3A_617, %get3A_618, %get3A_619] {strides = array<i32>} : memref<2x128x128xf32, #tpu.memory_space<vmem>>, vector<1x1x16xf32>,
      %get3A_621 = vector.shape_cast %get3A_620 : vector<1x1x16xf32> to vector<16xf32>
      %get3A_622 = arith.constant 0 : i32
      %get3A_623 = arith.index_cast %get3A_622 : i32 to index
      %get3A_624 = arith.index_cast %scan3A_508 : i32 to index
      %get3A_625 = arith.constant 64 : index
      %get3A_626 = tpu.vector_load %arg10[%get3A_623, %get3A_624, %get3A_625] {strides = array<i32>} : memref<2x128x128xf32, #tpu.memory_space<vmem>>, vector<1x1x16xf32>,
      %get3A_627 = vector.shape_cast %get3A_626 : vector<1x1x16xf32> to vector<16xf32>
      %mul3A_628 = arith.mulf %get3A_621, %get3A_627 : vector<16xf32>
      %get3A_629 = arith.constant 0 : i32
      %get3A_630 = arith.index_cast %get3A_629 : i32 to index
      %get3A_631 = arith.index_cast %scan3A_508 : i32 to index
      %get3A_632 = arith.constant 64 : index
      %get3A_633 = tpu.vector_load %arg9[%get3A_630, %get3A_631, %get3A_632] {strides = array<i32>} : memref<2x128x128xf32, #tpu.memory_space<vmem>>, vector<1x1x16xf32>,
      %get3A_634 = vector.shape_cast %get3A_633 : vector<1x1x16xf32> to vector<16xf32>
      %add3A_635 = arith.addf %mul3A_628, %get3A_634 : vector<16xf32>
      %swap3A_636 = arith.constant 0 : i32
      %swap3A_637 = arith.index_cast %swap3A_636 : i32 to index
      %swap3A_638 = arith.index_cast %scan3A_508 : i32 to index
      %swap3A_639 = arith.constant 64 : index
      %swap3A_640 = tpu.vector_load %arg10[%swap3A_637, %swap3A_638, %swap3A_639] {strides = array<i32>} : memref<2x128x128xf32, #tpu.memory_space<vmem>>, vector<1x1x16xf32>,
      %swap3A_641 = vector.shape_cast %swap3A_640 : vector<1x1x16xf32> to vector<16xf32>
      %swap3A_642 = vector.shape_cast %add3A_635 : vector<16xf32> to vector<1x1x16xf32>
      tpu.vector_store %arg10[%swap3A_637, %swap3A_638, %swap3A_639], %swap3A_642 {strides = array<i32>} : memref<2x128x128xf32, #tpu.memory_space<vmem>>, vector<1x1x16xf32>,
      %get3A_643 = arith.constant 0 : i32
      %get3A_644 = arith.index_cast %get3A_643 : i32 to index
      %get3A_645 = arith.index_cast %scan3A_508 : i32 to index
      %get3A_646 = arith.constant 80 : index
      %get3A_647 = tpu.vector_load %arg8[%get3A_644, %get3A_645, %get3A_646] {strides = array<i32>} : memref<2x128x128xf32, #tpu.memory_space<vmem>>, vector<1x1x16xf32>,
      %get3A_648 = vector.shape_cast %get3A_647 : vector<1x1x16xf32> to vector<16xf32>
      %get3A_649 = arith.constant 0 : i32
      %get3A_650 = arith.index_cast %get3A_649 : i32 to index
      %get3A_651 = arith.index_cast %scan3A_508 : i32 to index
      %get3A_652 = arith.constant 80 : index
      %get3A_653 = tpu.vector_load %arg10[%get3A_650, %get3A_651, %get3A_652] {strides = array<i32>} : memref<2x128x128xf32, #tpu.memory_space<vmem>>, vector<1x1x16xf32>,
      %get3A_654 = vector.shape_cast %get3A_653 : vector<1x1x16xf32> to vector<16xf32>
      %mul3A_655 = arith.mulf %get3A_648, %get3A_654 : vector<16xf32>
      %get3A_656 = arith.constant 0 : i32
      %get3A_657 = arith.index_cast %get3A_656 : i32 to index
      %get3A_658 = arith.index_cast %scan3A_508 : i32 to index
      %get3A_659 = arith.constant 80 : index
      %get3A_660 = tpu.vector_load %arg9[%get3A_657, %get3A_658, %get3A_659] {strides = array<i32>} : memref<2x128x128xf32, #tpu.memory_space<vmem>>, vector<1x1x16xf32>,
      %get3A_661 = vector.shape_cast %get3A_660 : vector<1x1x16xf32> to vector<16xf32>
      %add3A_662 = arith.addf %mul3A_655, %get3A_661 : vector<16xf32>
      %swap3A_663 = arith.constant 0 : i32
      %swap3A_664 = arith.index_cast %swap3A_663 : i32 to index
      %swap3A_665 = arith.index_cast %scan3A_508 : i32 to index
      %swap3A_666 = arith.constant 80 : index
      %swap3A_667 = tpu.vector_load %arg10[%swap3A_664, %swap3A_665, %swap3A_666] {strides = array<i32>} : memref<2x128x128xf32, #tpu.memory_space<vmem>>, vector<1x1x16xf32>,
      %swap3A_668 = vector.shape_cast %swap3A_667 : vector<1x1x16xf32> to vector<16xf32>
      %swap3A_669 = vector.shape_cast %add3A_662 : vector<16xf32> to vector<1x1x16xf32>
      tpu.vector_store %arg10[%swap3A_664, %swap3A_665, %swap3A_666], %swap3A_669 {strides = array<i32>} : memref<2x128x128xf32, #tpu.memory_space<vmem>>, vector<1x1x16xf32>,
      %get3A_670 = arith.constant 0 : i32
      %get3A_671 = arith.index_cast %get3A_670 : i32 to index
      %get3A_672 = arith.index_cast %scan3A_508 : i32 to index
      %get3A_673 = arith.constant 96 : index
      %get3A_674 = tpu.vector_load %arg8[%get3A_671, %get3A_672, %get3A_673] {strides = array<i32>} : memref<2x128x128xf32, #tpu.memory_space<vmem>>, vector<1x1x16xf32>,
      %get3A_675 = vector.shape_cast %get3A_674 : vector<1x1x16xf32> to vector<16xf32>
      %get3A_676 = arith.constant 0 : i32
      %get3A_677 = arith.index_cast %get3A_676 : i32 to index
      %get3A_678 = arith.index_cast %scan3A_508 : i32 to index
      %get3A_679 = arith.constant 96 : index
      %get3A_680 = tpu.vector_load %arg10[%get3A_677, %get3A_678, %get3A_679] {strides = array<i32>} : memref<2x128x128xf32, #tpu.memory_space<vmem>>, vector<1x1x16xf32>,
      %get3A_681 = vector.shape_cast %get3A_680 : vector<1x1x16xf32> to vector<16xf32>
      %mul3A_682 = arith.mulf %get3A_675, %get3A_681 : vector<16xf32>
      %get3A_683 = arith.constant 0 : i32
      %get3A_684 = arith.index_cast %get3A_683 : i32 to index
      %get3A_685 = arith.index_cast %scan3A_508 : i32 to index
      %get3A_686 = arith.constant 96 : index
      %get3A_687 = tpu.vector_load %arg9[%get3A_684, %get3A_685, %get3A_686] {strides = array<i32>} : memref<2x128x128xf32, #tpu.memory_space<vmem>>, vector<1x1x16xf32>,
      %get3A_688 = vector.shape_cast %get3A_687 : vector<1x1x16xf32> to vector<16xf32>
      %add3A_689 = arith.addf %mul3A_682, %get3A_688 : vector<16xf32>
      %swap3A_690 = arith.constant 0 : i32
      %swap3A_691 = arith.index_cast %swap3A_690 : i32 to index
      %swap3A_692 = arith.index_cast %scan3A_508 : i32 to index
      %swap3A_693 = arith.constant 96 : index
      %swap3A_694 = tpu.vector_load %arg10[%swap3A_691, %swap3A_692, %swap3A_693] {strides = array<i32>} : memref<2x128x128xf32, #tpu.memory_space<vmem>>, vector<1x1x16xf32>,
      %swap3A_695 = vector.shape_cast %swap3A_694 : vector<1x1x16xf32> to vector<16xf32>
      %swap3A_696 = vector.shape_cast %add3A_689 : vector<16xf32> to vector<1x1x16xf32>
      tpu.vector_store %arg10[%swap3A_691, %swap3A_692, %swap3A_693], %swap3A_696 {strides = array<i32>} : memref<2x128x128xf32, #tpu.memory_space<vmem>>, vector<1x1x16xf32>,
      %get3A_697 = arith.constant 0 : i32
      %get3A_698 = arith.index_cast %get3A_697 : i32 to index
      %get3A_699 = arith.index_cast %scan3A_508 : i32 to index
      %get3A_700 = arith.constant 112 : index
      %get3A_701 = tpu.vector_load %arg8[%get3A_698, %get3A_699, %get3A_700] {strides = array<i32>} : memref<2x128x128xf32, #tpu.memory_space<vmem>>, vector<1x1x16xf32>,
      %get3A_702 = vector.shape_cast %get3A_701 : vector<1x1x16xf32> to vector<16xf32>
      %get3A_703 = arith.constant 0 : i32
      %get3A_704 = arith.index_cast %get3A_703 : i32 to index
      %get3A_705 = arith.index_cast %scan3A_508 : i32 to index
      %get3A_706 = arith.constant 112 : index
      %get3A_707 = tpu.vector_load %arg10[%get3A_704, %get3A_705, %get3A_706] {strides = array<i32>} : memref<2x128x128xf32, #tpu.memory_space<vmem>>, vector<1x1x16xf32>,
      %get3A_708 = vector.shape_cast %get3A_707 : vector<1x1x16xf32> to vector<16xf32>
      %mul3A_709 = arith.mulf %get3A_702, %get3A_708 : vector<16xf32>
      %get3A_710 = arith.constant 0 : i32
      %get3A_711 = arith.index_cast %get3A_710 : i32 to index
      %get3A_712 = arith.index_cast %scan3A_508 : i32 to index
      %get3A_713 = arith.constant 112 : index
      %get3A_714 = tpu.vector_load %arg9[%get3A_711, %get3A_712, %get3A_713] {strides = array<i32>} : memref<2x128x128xf32, #tpu.memory_space<vmem>>, vector<1x1x16xf32>,
      %get3A_715 = vector.shape_cast %get3A_714 : vector<1x1x16xf32> to vector<16xf32>
      %add3A_716 = arith.addf %mul3A_709, %get3A_715 : vector<16xf32>
      %swap3A_717 = arith.constant 0 : i32
      %swap3A_718 = arith.index_cast %swap3A_717 : i32 to index
      %swap3A_719 = arith.index_cast %scan3A_508 : i32 to index
      %swap3A_720 = arith.constant 112 : index
      %swap3A_721 = tpu.vector_load %arg10[%swap3A_718, %swap3A_719, %swap3A_720] {strides = array<i32>} : memref<2x128x128xf32, #tpu.memory_space<vmem>>, vector<1x1x16xf32>,
      %swap3A_722 = vector.shape_cast %swap3A_721 : vector<1x1x16xf32> to vector<16xf32>
      %swap3A_723 = vector.shape_cast %add3A_716 : vector<16xf32> to vector<1x1x16xf32>
      tpu.vector_store %arg10[%swap3A_718, %swap3A_719, %swap3A_720], %swap3A_723 {strides = array<i32>} : memref<2x128x128xf32, #tpu.memory_space<vmem>>, vector<1x1x16xf32>,
      %scan3A_724 = arith.constant 0 : i32
      scf.yield %scan3A_724 : i32
    }
    %scan3A_136 = arith.constant 128 : i32
    %add3A_137 = arith.constant 0 : i32
    %add3A_138 = arith.addi %mul3A_2, %add3A_137 : i32
    %dma_start3A_139 = arith.constant 0 : i32
    %dma_start3A_140 = arith.constant 0 : i32
    %dma_start3A_141 = arith.constant 0 : i32
    %dma_start3A_142 = arith.constant 0 : i32
    %dma_start3A_143 = tpu.memref_slice %arg10[%dma_start3A_139, %dma_start3A_141, %dma_start3A_142] : memref<2x128x128xf32, #tpu.memory_space<vmem>> -> memref<1x128x128xf32, #tpu.memory_space<vmem>>
    %dma_start3A_144 = tpu.memref_squeeze %dma_start3A_143 : memref<1x128x128xf32, #tpu.memory_space<vmem>> -> memref<128x128xf32, #tpu.memory_space<vmem>>
    %dma_start3A_145 = arith.constant 0 : i32
    %dma_start3A_146 = tpu.memref_slice %arg6[%add3A_138, %dma_start3A_145] : memref<16384x128xf32, #tpu.memory_space<hbm>> -> memref<128x128xf32, #tpu.memory_space<hbm>>
    %dma_start3A_147 = tpu.memref_slice %arg14[%dma_start3A_140] : memref<2x!tpu.dma_semaphore, #tpu.memory_space<semaphore_mem>> -> memref<1x!tpu.dma_semaphore, #tpu.memory_space<semaphore_mem>>
    %dma_start3A_148 = tpu.memref_squeeze %dma_start3A_147 : memref<1x!tpu.dma_semaphore, #tpu.memory_space<semaphore_mem>> -> memref<!tpu.dma_semaphore, #tpu.memory_space<semaphore_mem>>
    %dma_start3A_149 = arith.constant 0 : i32
    %dma_start3A_150 = tpu.memref_slice %arg6[%add3A_138, %dma_start3A_149] : memref<16384x128xf32, #tpu.memory_space<hbm>> -> memref<128x128xf32, #tpu.memory_space<hbm>>
    %dma_start3A_151 = arith.constant 0 : i32
    %dma_start3A_152 = arith.constant 0 : i32
    %dma_start3A_153 = tpu.memref_slice %arg10[%dma_start3A_139, %dma_start3A_151, %dma_start3A_152] : memref<2x128x128xf32, #tpu.memory_space<vmem>> -> memref<1x128x128xf32, #tpu.memory_space<vmem>>
    %dma_start3A_154 = tpu.memref_squeeze %dma_start3A_153 : memref<1x128x128xf32, #tpu.memory_space<vmem>> -> memref<128x128xf32, #tpu.memory_space<vmem>>
    tpu.enqueue_dma source(%dma_start3A_154 : memref<128x128xf32, #tpu.memory_space<vmem>>) target(%dma_start3A_150 : memref<128x128xf32, #tpu.memory_space<hbm>>) target_semaphore(%dma_start3A_148 : memref<!tpu.dma_semaphore, #tpu.memory_space<semaphore_mem>>)
    %dma_wait3A_155 = arith.constant 0 : i32
    %dma_wait3A_156 = arith.constant 0 : i32
    %dma_wait3A_157 = arith.constant 0 : i32
    %dma_wait3A_158 = arith.constant 0 : i32
    %dma_wait3A_159 = tpu.memref_slice %arg10[%dma_wait3A_155, %dma_wait3A_157, %dma_wait3A_158] : memref<2x128x128xf32, #tpu.memory_space<vmem>> -> memref<1x128x128xf32, #tpu.memory_space<vmem>>
    %dma_wait3A_160 = tpu.memref_squeeze %dma_wait3A_159 : memref<1x128x128xf32, #tpu.memory_space<vmem>> -> memref<128x128xf32, #tpu.memory_space<vmem>>
    %dma_wait3A_161 = arith.constant 0 : i32
    %dma_wait3A_162 = tpu.memref_slice %arg6[%add3A_138, %dma_wait3A_161] : memref<16384x128xf32, #tpu.memory_space<hbm>> -> memref<128x128xf32, #tpu.memory_space<hbm>>
    %dma_wait3A_163 = tpu.memref_slice %arg14[%dma_wait3A_156] : memref<2x!tpu.dma_semaphore, #tpu.memory_space<semaphore_mem>> -> memref<1x!tpu.dma_semaphore, #tpu.memory_space<semaphore_mem>>
    %dma_wait3A_164 = tpu.memref_squeeze %dma_wait3A_163 : memref<1x!tpu.dma_semaphore, #tpu.memory_space<semaphore_mem>> -> memref<!tpu.dma_semaphore, #tpu.memory_space<semaphore_mem>>
    %dma_wait3A_165 = arith.constant 0 : i32
    %dma_wait3A_166 = tpu.memref_slice %arg6[%add3A_138, %dma_wait3A_165] : memref<16384x128xf32, #tpu.memory_space<hbm>> -> memref<128x128xf32, #tpu.memory_space<hbm>>
    %dma_wait3A_167 = arith.constant 0 : i32
    %dma_wait3A_168 = arith.constant 0 : i32
    %dma_wait3A_169 = tpu.memref_slice %arg10[%dma_wait3A_155, %dma_wait3A_167, %dma_wait3A_168] : memref<2x128x128xf32, #tpu.memory_space<vmem>> -> memref<1x128x128xf32, #tpu.memory_space<vmem>>
    %dma_wait3A_170 = tpu.memref_squeeze %dma_wait3A_169 : memref<1x128x128xf32, #tpu.memory_space<vmem>> -> memref<128x128xf32, #tpu.memory_space<vmem>>
    tpu.wait_dma2 semaphore(%dma_wait3A_164 : memref<!tpu.dma_semaphore, #tpu.memory_space<semaphore_mem>>) src(%dma_wait3A_170 : memref<128x128xf32, #tpu.memory_space<vmem>>) dst(%dma_wait3A_166 : memref<128x128xf32, #tpu.memory_space<hbm>>)
    %dma_start3A_171 = arith.constant 0 : i32
    %dma_start3A_172 = arith.constant 0 : i32
    %dma_start3A_173 = arith.constant 0 : i32
    %dma_start3A_174 = arith.constant 0 : i32
    %dma_start3A_175 = tpu.memref_slice %arg8[%dma_start3A_171, %dma_start3A_173, %dma_start3A_174] : memref<2x128x128xf32, #tpu.memory_space<vmem>> -> memref<1x128x128xf32, #tpu.memory_space<vmem>>
    %dma_start3A_176 = tpu.memref_squeeze %dma_start3A_175 : memref<1x128x128xf32, #tpu.memory_space<vmem>> -> memref<128x128xf32, #tpu.memory_space<vmem>>
    %dma_start3A_177 = arith.constant 256 : i32
    %dma_start3A_178 = tpu.memref_slice %arg7[%dma_start3A_177] : memref<512xi32, #tpu.memory_space<vmem>> -> memref<128xi32, #tpu.memory_space<vmem>>
    %dma_start3A_179 = arith.constant 0 : i32
    %dma_start3A_180 = arith.constant 0 : i32
    %dma_start3A_181 = tpu.memref_slice %arg4[%dma_start3A_179, %dma_start3A_180] : memref<1000x128xf32, #tpu.memory_space<hbm>> -> memref<1000x128xf32, #tpu.memory_space<hbm>>
    %dma_start3A_182 = tpu.memref_slice %arg11[%dma_start3A_172] : memref<2x!tpu.dma_semaphore, #tpu.memory_space<semaphore_mem>> -> memref<1x!tpu.dma_semaphore, #tpu.memory_space<semaphore_mem>>
    %dma_start3A_183 = tpu.memref_squeeze %dma_start3A_182 : memref<1x!tpu.dma_semaphore, #tpu.memory_space<semaphore_mem>> -> memref<!tpu.dma_semaphore, #tpu.memory_space<semaphore_mem>>
    tpu.enqueue_indirect_dma source(%dma_start3A_181 : memref<1000x128xf32, #tpu.memory_space<hbm>>) target(%dma_start3A_176 : memref<128x128xf32, #tpu.memory_space<vmem>>) offsets(%dma_start3A_178 : memref<128xi32, #tpu.memory_space<vmem>>) semaphore(%dma_start3A_183 : memref<!tpu.dma_semaphore, #tpu.memory_space<semaphore_mem>>)
    %dma_start3A_184 = arith.constant 0 : i32
    %dma_start3A_185 = arith.constant 0 : i32
    %dma_start3A_186 = arith.constant 0 : i32
    %dma_start3A_187 = arith.constant 0 : i32
    %dma_start3A_188 = tpu.memref_slice %arg9[%dma_start3A_184, %dma_start3A_186, %dma_start3A_187] : memref<2x128x128xf32, #tpu.memory_space<vmem>> -> memref<1x128x128xf32, #tpu.memory_space<vmem>>
    %dma_start3A_189 = tpu.memref_squeeze %dma_start3A_188 : memref<1x128x128xf32, #tpu.memory_space<vmem>> -> memref<128x128xf32, #tpu.memory_space<vmem>>
    %dma_start3A_190 = arith.constant 256 : i32
    %dma_start3A_191 = tpu.memref_slice %arg7[%dma_start3A_190] : memref<512xi32, #tpu.memory_space<vmem>> -> memref<128xi32, #tpu.memory_space<vmem>>
    %dma_start3A_192 = arith.constant 0 : i32
    %dma_start3A_193 = arith.constant 0 : i32
    %dma_start3A_194 = tpu.memref_slice %arg5[%dma_start3A_192, %dma_start3A_193] : memref<1000x128xf32, #tpu.memory_space<hbm>> -> memref<1000x128xf32, #tpu.memory_space<hbm>>
    %dma_start3A_195 = tpu.memref_slice %arg12[%dma_start3A_185] : memref<2x!tpu.dma_semaphore, #tpu.memory_space<semaphore_mem>> -> memref<1x!tpu.dma_semaphore, #tpu.memory_space<semaphore_mem>>
    %dma_start3A_196 = tpu.memref_squeeze %dma_start3A_195 : memref<1x!tpu.dma_semaphore, #tpu.memory_space<semaphore_mem>> -> memref<!tpu.dma_semaphore, #tpu.memory_space<semaphore_mem>>
    tpu.enqueue_indirect_dma source(%dma_start3A_194 : memref<1000x128xf32, #tpu.memory_space<hbm>>) target(%dma_start3A_189 : memref<128x128xf32, #tpu.memory_space<vmem>>) offsets(%dma_start3A_191 : memref<128xi32, #tpu.memory_space<vmem>>) semaphore(%dma_start3A_196 : memref<!tpu.dma_semaphore, #tpu.memory_space<semaphore_mem>>)
    %add3A_197 = arith.constant 256 : i32
    %add3A_198 = arith.addi %mul3A_2, %add3A_197 : i32
    %dma_start3A_199 = arith.constant 0 : i32
    %dma_start3A_200 = arith.constant 0 : i32
    %dma_start3A_201 = arith.constant 0 : i32
    %dma_start3A_202 = arith.constant 0 : i32
    %dma_start3A_203 = tpu.memref_slice %arg10[%dma_start3A_199, %dma_start3A_201, %dma_start3A_202] : memref<2x128x128xf32, #tpu.memory_space<vmem>> -> memref<1x128x128xf32, #tpu.memory_space<vmem>>
    %dma_start3A_204 = tpu.memref_squeeze %dma_start3A_203 : memref<1x128x128xf32, #tpu.memory_space<vmem>> -> memref<128x128xf32, #tpu.memory_space<vmem>>
    %dma_start3A_205 = arith.constant 0 : i32
    %dma_start3A_206 = tpu.memref_slice %arg2[%add3A_198, %dma_start3A_205] : memref<16384x128xf32, #tpu.memory_space<hbm>> -> memref<128x128xf32, #tpu.memory_space<hbm>>
    %dma_start3A_207 = tpu.memref_slice %arg13[%dma_start3A_200] : memref<2x!tpu.dma_semaphore, #tpu.memory_space<semaphore_mem>> -> memref<1x!tpu.dma_semaphore, #tpu.memory_space<semaphore_mem>>
    %dma_start3A_208 = tpu.memref_squeeze %dma_start3A_207 : memref<1x!tpu.dma_semaphore, #tpu.memory_space<semaphore_mem>> -> memref<!tpu.dma_semaphore, #tpu.memory_space<semaphore_mem>>
    %dma_start3A_209 = arith.constant 0 : i32
    %dma_start3A_210 = arith.constant 0 : i32
    %dma_start3A_211 = tpu.memref_slice %arg10[%dma_start3A_199, %dma_start3A_209, %dma_start3A_210] : memref<2x128x128xf32, #tpu.memory_space<vmem>> -> memref<1x128x128xf32, #tpu.memory_space<vmem>>
    %dma_start3A_212 = tpu.memref_squeeze %dma_start3A_211 : memref<1x128x128xf32, #tpu.memory_space<vmem>> -> memref<128x128xf32, #tpu.memory_space<vmem>>
    %dma_start3A_213 = arith.constant 0 : i32
    %dma_start3A_214 = tpu.memref_slice %arg2[%add3A_198, %dma_start3A_213] : memref<16384x128xf32, #tpu.memory_space<hbm>> -> memref<128x128xf32, #tpu.memory_space<hbm>>
    tpu.enqueue_dma source(%dma_start3A_214 : memref<128x128xf32, #tpu.memory_space<hbm>>) target(%dma_start3A_212 : memref<128x128xf32, #tpu.memory_space<vmem>>) target_semaphore(%dma_start3A_208 : memref<!tpu.dma_semaphore, #tpu.memory_space<semaphore_mem>>)
    %dma_wait3A_215 = arith.constant 1 : i32
    %dma_wait3A_216 = arith.constant 1 : i32
    %dma_wait3A_217 = arith.constant 0 : i32
    %dma_wait3A_218 = arith.constant 0 : i32
    %dma_wait3A_219 = tpu.memref_slice %arg8[%dma_wait3A_215, %dma_wait3A_217, %dma_wait3A_218] : memref<2x128x128xf32, #tpu.memory_space<vmem>> -> memref<1x128x128xf32, #tpu.memory_space<vmem>>
    %dma_wait3A_220 = tpu.memref_squeeze %dma_wait3A_219 : memref<1x128x128xf32, #tpu.memory_space<vmem>> -> memref<128x128xf32, #tpu.memory_space<vmem>>
    %dma_wait3A_221 = arith.constant 128 : i32
    %dma_wait3A_222 = tpu.memref_slice %arg7[%dma_wait3A_221] : memref<512xi32, #tpu.memory_space<vmem>> -> memref<128xi32, #tpu.memory_space<vmem>>
    %dma_wait3A_223 = arith.constant 0 : i32
    %dma_wait3A_224 = arith.constant 0 : i32
    %dma_wait3A_225 = tpu.memref_slice %arg4[%dma_wait3A_223, %dma_wait3A_224] : memref<1000x128xf32, #tpu.memory_space<hbm>> -> memref<1000x128xf32, #tpu.memory_space<hbm>>
    %dma_wait3A_226 = tpu.memref_slice %arg11[%dma_wait3A_216] : memref<2x!tpu.dma_semaphore, #tpu.memory_space<semaphore_mem>> -> memref<1x!tpu.dma_semaphore, #tpu.memory_space<semaphore_mem>>
    %dma_wait3A_227 = tpu.memref_squeeze %dma_wait3A_226 : memref<1x!tpu.dma_semaphore, #tpu.memory_space<semaphore_mem>> -> memref<!tpu.dma_semaphore, #tpu.memory_space<semaphore_mem>>
    tpu.wait_indirect_dma semaphore(%dma_wait3A_227 : memref<!tpu.dma_semaphore, #tpu.memory_space<semaphore_mem>>) src(%dma_wait3A_225 : memref<1000x128xf32, #tpu.memory_space<hbm>>) dst(%dma_wait3A_220 : memref<128x128xf32, #tpu.memory_space<vmem>>)
    %dma_wait3A_228 = arith.constant 1 : i32
    %dma_wait3A_229 = arith.constant 1 : i32
    %dma_wait3A_230 = arith.constant 0 : i32
    %dma_wait3A_231 = arith.constant 0 : i32
    %dma_wait3A_232 = tpu.memref_slice %arg9[%dma_wait3A_228, %dma_wait3A_230, %dma_wait3A_231] : memref<2x128x128xf32, #tpu.memory_space<vmem>> -> memref<1x128x128xf32, #tpu.memory_space<vmem>>
    %dma_wait3A_233 = tpu.memref_squeeze %dma_wait3A_232 : memref<1x128x128xf32, #tpu.memory_space<vmem>> -> memref<128x128xf32, #tpu.memory_space<vmem>>
    %dma_wait3A_234 = arith.constant 128 : i32
    %dma_wait3A_235 = tpu.memref_slice %arg7[%dma_wait3A_234] : memref<512xi32, #tpu.memory_space<vmem>> -> memref<128xi32, #tpu.memory_space<vmem>>
    %dma_wait3A_236 = arith.constant 0 : i32
    %dma_wait3A_237 = arith.constant 0 : i32
    %dma_wait3A_238 = tpu.memref_slice %arg5[%dma_wait3A_236, %dma_wait3A_237] : memref<1000x128xf32, #tpu.memory_space<hbm>> -> memref<1000x128xf32, #tpu.memory_space<hbm>>
    %dma_wait3A_239 = tpu.memref_slice %arg12[%dma_wait3A_229] : memref<2x!tpu.dma_semaphore, #tpu.memory_space<semaphore_mem>> -> memref<1x!tpu.dma_semaphore, #tpu.memory_space<semaphore_mem>>
    %dma_wait3A_240 = tpu.memref_squeeze %dma_wait3A_239 : memref<1x!tpu.dma_semaphore, #tpu.memory_space<semaphore_mem>> -> memref<!tpu.dma_semaphore, #tpu.memory_space<semaphore_mem>>
    tpu.wait_indirect_dma semaphore(%dma_wait3A_240 : memref<!tpu.dma_semaphore, #tpu.memory_space<semaphore_mem>>) src(%dma_wait3A_238 : memref<1000x128xf32, #tpu.memory_space<hbm>>) dst(%dma_wait3A_233 : memref<128x128xf32, #tpu.memory_space<vmem>>)
    %dma_wait3A_241 = arith.constant 1 : i32
    %dma_wait3A_242 = arith.constant 1 : i32
    %dma_wait3A_243 = arith.constant 0 : i32
    %dma_wait3A_244 = arith.constant 0 : i32
    %dma_wait3A_245 = tpu.memref_slice %arg10[%dma_wait3A_241, %dma_wait3A_243, %dma_wait3A_244] : memref<2x128x128xf32, #tpu.memory_space<vmem>> -> memref<1x128x128xf32, #tpu.memory_space<vmem>>
    %dma_wait3A_246 = tpu.memref_squeeze %dma_wait3A_245 : memref<1x128x128xf32, #tpu.memory_space<vmem>> -> memref<128x128xf32, #tpu.memory_space<vmem>>
    %dma_wait3A_247 = arith.constant 0 : i32
    %dma_wait3A_248 = tpu.memref_slice %arg2[%add3A_73, %dma_wait3A_247] : memref<16384x128xf32, #tpu.memory_space<hbm>> -> memref<128x128xf32, #tpu.memory_space<hbm>>
    %dma_wait3A_249 = tpu.memref_slice %arg13[%dma_wait3A_242] : memref<2x!tpu.dma_semaphore, #tpu.memory_space<semaphore_mem>> -> memref<1x!tpu.dma_semaphore, #tpu.memory_space<semaphore_mem>>
    %dma_wait3A_250 = tpu.memref_squeeze %dma_wait3A_249 : memref<1x!tpu.dma_semaphore, #tpu.memory_space<semaphore_mem>> -> memref<!tpu.dma_semaphore, #tpu.memory_space<semaphore_mem>>
    %dma_wait3A_251 = arith.constant 0 : i32
    %dma_wait3A_252 = arith.constant 0 : i32
    %dma_wait3A_253 = tpu.memref_slice %arg10[%dma_wait3A_241, %dma_wait3A_251, %dma_wait3A_252] : memref<2x128x128xf32, #tpu.memory_space<vmem>> -> memref<1x128x128xf32, #tpu.memory_space<vmem>>
    %dma_wait3A_254 = tpu.memref_squeeze %dma_wait3A_253 : memref<1x128x128xf32, #tpu.memory_space<vmem>> -> memref<128x128xf32, #tpu.memory_space<vmem>>
    %dma_wait3A_255 = arith.constant 0 : i32
    %dma_wait3A_256 = tpu.memref_slice %arg2[%add3A_73, %dma_wait3A_255] : memref<16384x128xf32, #tpu.memory_space<hbm>> -> memref<128x128xf32, #tpu.memory_space<hbm>>
    tpu.wait_dma2 semaphore(%dma_wait3A_250 : memref<!tpu.dma_semaphore, #tpu.memory_space<semaphore_mem>>) src(%dma_wait3A_256 : memref<128x128xf32, #tpu.memory_space<hbm>>) dst(%dma_wait3A_254 : memref<128x128xf32, #tpu.memory_space<vmem>>)
    %scan3A_257 = arith.constant 0 : i32
    %scan3A_258 = arith.constant 0 : i32
    %scan3A_259 = arith.constant 128 : i32
    %scan3A_260 = arith.addi %scan3A_258, %scan3A_259 : i32
    %scan3A_261 = arith.constant 1 : i32
    %scan3A_262 = scf.for %scan3A_508 = %scan3A_258 to %scan3A_260 step %scan3A_261 iter_args(%scan3A_509 = %scan3A_257) -> (i32)  : i32 {
      %get3A = arith.constant 1 : i32
      %get3A_510 = arith.index_cast %get3A : i32 to index
      %get3A_511 = arith.index_cast %scan3A_508 : i32 to index
      %get3A_512 = arith.constant 0 : index
      %get3A_513 = tpu.vector_load %arg8[%get3A_510, %get3A_511, %get3A_512] {strides = array<i32>} : memref<2x128x128xf32, #tpu.memory_space<vmem>>, vector<1x1x16xf32>,
      %get3A_514 = vector.shape_cast %get3A_513 : vector<1x1x16xf32> to vector<16xf32>
      %get3A_515 = arith.constant 1 : i32
      %get3A_516 = arith.index_cast %get3A_515 : i32 to index
      %get3A_517 = arith.index_cast %scan3A_508 : i32 to index
      %get3A_518 = arith.constant 0 : index
      %get3A_519 = tpu.vector_load %arg10[%get3A_516, %get3A_517, %get3A_518] {strides = array<i32>} : memref<2x128x128xf32, #tpu.memory_space<vmem>>, vector<1x1x16xf32>,
      %get3A_520 = vector.shape_cast %get3A_519 : vector<1x1x16xf32> to vector<16xf32>
      %mul3A_521 = arith.mulf %get3A_514, %get3A_520 : vector<16xf32>
      %get3A_522 = arith.constant 1 : i32
      %get3A_523 = arith.index_cast %get3A_522 : i32 to index
      %get3A_524 = arith.index_cast %scan3A_508 : i32 to index
      %get3A_525 = arith.constant 0 : index
      %get3A_526 = tpu.vector_load %arg9[%get3A_523, %get3A_524, %get3A_525] {strides = array<i32>} : memref<2x128x128xf32, #tpu.memory_space<vmem>>, vector<1x1x16xf32>,
      %get3A_527 = vector.shape_cast %get3A_526 : vector<1x1x16xf32> to vector<16xf32>
      %add3A_528 = arith.addf %mul3A_521, %get3A_527 : vector<16xf32>
      %swap3A = arith.constant 1 : i32
      %swap3A_529 = arith.index_cast %swap3A : i32 to index
      %swap3A_530 = arith.index_cast %scan3A_508 : i32 to index
      %swap3A_531 = arith.constant 0 : index
      %swap3A_532 = tpu.vector_load %arg10[%swap3A_529, %swap3A_530, %swap3A_531] {strides = array<i32>} : memref<2x128x128xf32, #tpu.memory_space<vmem>>, vector<1x1x16xf32>,
      %swap3A_533 = vector.shape_cast %swap3A_532 : vector<1x1x16xf32> to vector<16xf32>
      %swap3A_534 = vector.shape_cast %add3A_528 : vector<16xf32> to vector<1x1x16xf32>
      tpu.vector_store %arg10[%swap3A_529, %swap3A_530, %swap3A_531], %swap3A_534 {strides = array<i32>} : memref<2x128x128xf32, #tpu.memory_space<vmem>>, vector<1x1x16xf32>,
      %get3A_535 = arith.constant 1 : i32
      %get3A_536 = arith.index_cast %get3A_535 : i32 to index
      %get3A_537 = arith.index_cast %scan3A_508 : i32 to index
      %get3A_538 = arith.constant 16 : index
      %get3A_539 = tpu.vector_load %arg8[%get3A_536, %get3A_537, %get3A_538] {strides = array<i32>} : memref<2x128x128xf32, #tpu.memory_space<vmem>>, vector<1x1x16xf32>,
      %get3A_540 = vector.shape_cast %get3A_539 : vector<1x1x16xf32> to vector<16xf32>
      %get3A_541 = arith.constant 1 : i32
      %get3A_542 = arith.index_cast %get3A_541 : i32 to index
      %get3A_543 = arith.index_cast %scan3A_508 : i32 to index
      %get3A_544 = arith.constant 16 : index
      %get3A_545 = tpu.vector_load %arg10[%get3A_542, %get3A_543, %get3A_544] {strides = array<i32>} : memref<2x128x128xf32, #tpu.memory_space<vmem>>, vector<1x1x16xf32>,
      %get3A_546 = vector.shape_cast %get3A_545 : vector<1x1x16xf32> to vector<16xf32>
      %mul3A_547 = arith.mulf %get3A_540, %get3A_546 : vector<16xf32>
      %get3A_548 = arith.constant 1 : i32
      %get3A_549 = arith.index_cast %get3A_548 : i32 to index
      %get3A_550 = arith.index_cast %scan3A_508 : i32 to index
      %get3A_551 = arith.constant 16 : index
      %get3A_552 = tpu.vector_load %arg9[%get3A_549, %get3A_550, %get3A_551] {strides = array<i32>} : memref<2x128x128xf32, #tpu.memory_space<vmem>>, vector<1x1x16xf32>,
      %get3A_553 = vector.shape_cast %get3A_552 : vector<1x1x16xf32> to vector<16xf32>
      %add3A_554 = arith.addf %mul3A_547, %get3A_553 : vector<16xf32>
      %swap3A_555 = arith.constant 1 : i32
      %swap3A_556 = arith.index_cast %swap3A_555 : i32 to index
      %swap3A_557 = arith.index_cast %scan3A_508 : i32 to index
      %swap3A_558 = arith.constant 16 : index
      %swap3A_559 = tpu.vector_load %arg10[%swap3A_556, %swap3A_557, %swap3A_558] {strides = array<i32>} : memref<2x128x128xf32, #tpu.memory_space<vmem>>, vector<1x1x16xf32>,
      %swap3A_560 = vector.shape_cast %swap3A_559 : vector<1x1x16xf32> to vector<16xf32>
      %swap3A_561 = vector.shape_cast %add3A_554 : vector<16xf32> to vector<1x1x16xf32>
      tpu.vector_store %arg10[%swap3A_556, %swap3A_557, %swap3A_558], %swap3A_561 {strides = array<i32>} : memref<2x128x128xf32, #tpu.memory_space<vmem>>, vector<1x1x16xf32>,
      %get3A_562 = arith.constant 1 : i32
      %get3A_563 = arith.index_cast %get3A_562 : i32 to index
      %get3A_564 = arith.index_cast %scan3A_508 : i32 to index
      %get3A_565 = arith.constant 32 : index
      %get3A_566 = tpu.vector_load %arg8[%get3A_563, %get3A_564, %get3A_565] {strides = array<i32>} : memref<2x128x128xf32, #tpu.memory_space<vmem>>, vector<1x1x16xf32>,
      %get3A_567 = vector.shape_cast %get3A_566 : vector<1x1x16xf32> to vector<16xf32>
      %get3A_568 = arith.constant 1 : i32
      %get3A_569 = arith.index_cast %get3A_568 : i32 to index
      %get3A_570 = arith.index_cast %scan3A_508 : i32 to index
      %get3A_571 = arith.constant 32 : index
      %get3A_572 = tpu.vector_load %arg10[%get3A_569, %get3A_570, %get3A_571] {strides = array<i32>} : memref<2x128x128xf32, #tpu.memory_space<vmem>>, vector<1x1x16xf32>,
      %get3A_573 = vector.shape_cast %get3A_572 : vector<1x1x16xf32> to vector<16xf32>
      %mul3A_574 = arith.mulf %get3A_567, %get3A_573 : vector<16xf32>
      %get3A_575 = arith.constant 1 : i32
      %get3A_576 = arith.index_cast %get3A_575 : i32 to index
      %get3A_577 = arith.index_cast %scan3A_508 : i32 to index
      %get3A_578 = arith.constant 32 : index
      %get3A_579 = tpu.vector_load %arg9[%get3A_576, %get3A_577, %get3A_578] {strides = array<i32>} : memref<2x128x128xf32, #tpu.memory_space<vmem>>, vector<1x1x16xf32>,
      %get3A_580 = vector.shape_cast %get3A_579 : vector<1x1x16xf32> to vector<16xf32>
      %add3A_581 = arith.addf %mul3A_574, %get3A_580 : vector<16xf32>
      %swap3A_582 = arith.constant 1 : i32
      %swap3A_583 = arith.index_cast %swap3A_582 : i32 to index
      %swap3A_584 = arith.index_cast %scan3A_508 : i32 to index
      %swap3A_585 = arith.constant 32 : index
      %swap3A_586 = tpu.vector_load %arg10[%swap3A_583, %swap3A_584, %swap3A_585] {strides = array<i32>} : memref<2x128x128xf32, #tpu.memory_space<vmem>>, vector<1x1x16xf32>,
      %swap3A_587 = vector.shape_cast %swap3A_586 : vector<1x1x16xf32> to vector<16xf32>
      %swap3A_588 = vector.shape_cast %add3A_581 : vector<16xf32> to vector<1x1x16xf32>
      tpu.vector_store %arg10[%swap3A_583, %swap3A_584, %swap3A_585], %swap3A_588 {strides = array<i32>} : memref<2x128x128xf32, #tpu.memory_space<vmem>>, vector<1x1x16xf32>,
      %get3A_589 = arith.constant 1 : i32
      %get3A_590 = arith.index_cast %get3A_589 : i32 to index
      %get3A_591 = arith.index_cast %scan3A_508 : i32 to index
      %get3A_592 = arith.constant 48 : index
      %get3A_593 = tpu.vector_load %arg8[%get3A_590, %get3A_591, %get3A_592] {strides = array<i32>} : memref<2x128x128xf32, #tpu.memory_space<vmem>>, vector<1x1x16xf32>,
      %get3A_594 = vector.shape_cast %get3A_593 : vector<1x1x16xf32> to vector<16xf32>
      %get3A_595 = arith.constant 1 : i32
      %get3A_596 = arith.index_cast %get3A_595 : i32 to index
      %get3A_597 = arith.index_cast %scan3A_508 : i32 to index
      %get3A_598 = arith.constant 48 : index
      %get3A_599 = tpu.vector_load %arg10[%get3A_596, %get3A_597, %get3A_598] {strides = array<i32>} : memref<2x128x128xf32, #tpu.memory_space<vmem>>, vector<1x1x16xf32>,
      %get3A_600 = vector.shape_cast %get3A_599 : vector<1x1x16xf32> to vector<16xf32>
      %mul3A_601 = arith.mulf %get3A_594, %get3A_600 : vector<16xf32>
      %get3A_602 = arith.constant 1 : i32
      %get3A_603 = arith.index_cast %get3A_602 : i32 to index
      %get3A_604 = arith.index_cast %scan3A_508 : i32 to index
      %get3A_605 = arith.constant 48 : index
      %get3A_606 = tpu.vector_load %arg9[%get3A_603, %get3A_604, %get3A_605] {strides = array<i32>} : memref<2x128x128xf32, #tpu.memory_space<vmem>>, vector<1x1x16xf32>,
      %get3A_607 = vector.shape_cast %get3A_606 : vector<1x1x16xf32> to vector<16xf32>
      %add3A_608 = arith.addf %mul3A_601, %get3A_607 : vector<16xf32>
      %swap3A_609 = arith.constant 1 : i32
      %swap3A_610 = arith.index_cast %swap3A_609 : i32 to index
      %swap3A_611 = arith.index_cast %scan3A_508 : i32 to index
      %swap3A_612 = arith.constant 48 : index
      %swap3A_613 = tpu.vector_load %arg10[%swap3A_610, %swap3A_611, %swap3A_612] {strides = array<i32>} : memref<2x128x128xf32, #tpu.memory_space<vmem>>, vector<1x1x16xf32>,
      %swap3A_614 = vector.shape_cast %swap3A_613 : vector<1x1x16xf32> to vector<16xf32>
      %swap3A_615 = vector.shape_cast %add3A_608 : vector<16xf32> to vector<1x1x16xf32>
      tpu.vector_store %arg10[%swap3A_610, %swap3A_611, %swap3A_612], %swap3A_615 {strides = array<i32>} : memref<2x128x128xf32, #tpu.memory_space<vmem>>, vector<1x1x16xf32>,
      %get3A_616 = arith.constant 1 : i32
      %get3A_617 = arith.index_cast %get3A_616 : i32 to index
      %get3A_618 = arith.index_cast %scan3A_508 : i32 to index
      %get3A_619 = arith.constant 64 : index
      %get3A_620 = tpu.vector_load %arg8[%get3A_617, %get3A_618, %get3A_619] {strides = array<i32>} : memref<2x128x128xf32, #tpu.memory_space<vmem>>, vector<1x1x16xf32>,
      %get3A_621 = vector.shape_cast %get3A_620 : vector<1x1x16xf32> to vector<16xf32>
      %get3A_622 = arith.constant 1 : i32
      %get3A_623 = arith.index_cast %get3A_622 : i32 to index
      %get3A_624 = arith.index_cast %scan3A_508 : i32 to index
      %get3A_625 = arith.constant 64 : index
      %get3A_626 = tpu.vector_load %arg10[%get3A_623, %get3A_624, %get3A_625] {strides = array<i32>} : memref<2x128x128xf32, #tpu.memory_space<vmem>>, vector<1x1x16xf32>,
      %get3A_627 = vector.shape_cast %get3A_626 : vector<1x1x16xf32> to vector<16xf32>
      %mul3A_628 = arith.mulf %get3A_621, %get3A_627 : vector<16xf32>
      %get3A_629 = arith.constant 1 : i32
      %get3A_630 = arith.index_cast %get3A_629 : i32 to index
      %get3A_631 = arith.index_cast %scan3A_508 : i32 to index
      %get3A_632 = arith.constant 64 : index
      %get3A_633 = tpu.vector_load %arg9[%get3A_630, %get3A_631, %get3A_632] {strides = array<i32>} : memref<2x128x128xf32, #tpu.memory_space<vmem>>, vector<1x1x16xf32>,
      %get3A_634 = vector.shape_cast %get3A_633 : vector<1x1x16xf32> to vector<16xf32>
      %add3A_635 = arith.addf %mul3A_628, %get3A_634 : vector<16xf32>
      %swap3A_636 = arith.constant 1 : i32
      %swap3A_637 = arith.index_cast %swap3A_636 : i32 to index
      %swap3A_638 = arith.index_cast %scan3A_508 : i32 to index
      %swap3A_639 = arith.constant 64 : index
      %swap3A_640 = tpu.vector_load %arg10[%swap3A_637, %swap3A_638, %swap3A_639] {strides = array<i32>} : memref<2x128x128xf32, #tpu.memory_space<vmem>>, vector<1x1x16xf32>,
      %swap3A_641 = vector.shape_cast %swap3A_640 : vector<1x1x16xf32> to vector<16xf32>
      %swap3A_642 = vector.shape_cast %add3A_635 : vector<16xf32> to vector<1x1x16xf32>
      tpu.vector_store %arg10[%swap3A_637, %swap3A_638, %swap3A_639], %swap3A_642 {strides = array<i32>} : memref<2x128x128xf32, #tpu.memory_space<vmem>>, vector<1x1x16xf32>,
      %get3A_643 = arith.constant 1 : i32
      %get3A_644 = arith.index_cast %get3A_643 : i32 to index
      %get3A_645 = arith.index_cast %scan3A_508 : i32 to index
      %get3A_646 = arith.constant 80 : index
      %get3A_647 = tpu.vector_load %arg8[%get3A_644, %get3A_645, %get3A_646] {strides = array<i32>} : memref<2x128x128xf32, #tpu.memory_space<vmem>>, vector<1x1x16xf32>,
      %get3A_648 = vector.shape_cast %get3A_647 : vector<1x1x16xf32> to vector<16xf32>
      %get3A_649 = arith.constant 1 : i32
      %get3A_650 = arith.index_cast %get3A_649 : i32 to index
      %get3A_651 = arith.index_cast %scan3A_508 : i32 to index
      %get3A_652 = arith.constant 80 : index
      %get3A_653 = tpu.vector_load %arg10[%get3A_650, %get3A_651, %get3A_652] {strides = array<i32>} : memref<2x128x128xf32, #tpu.memory_space<vmem>>, vector<1x1x16xf32>,
      %get3A_654 = vector.shape_cast %get3A_653 : vector<1x1x16xf32> to vector<16xf32>
      %mul3A_655 = arith.mulf %get3A_648, %get3A_654 : vector<16xf32>
      %get3A_656 = arith.constant 1 : i32
      %get3A_657 = arith.index_cast %get3A_656 : i32 to index
      %get3A_658 = arith.index_cast %scan3A_508 : i32 to index
      %get3A_659 = arith.constant 80 : index
      %get3A_660 = tpu.vector_load %arg9[%get3A_657, %get3A_658, %get3A_659] {strides = array<i32>} : memref<2x128x128xf32, #tpu.memory_space<vmem>>, vector<1x1x16xf32>,
      %get3A_661 = vector.shape_cast %get3A_660 : vector<1x1x16xf32> to vector<16xf32>
      %add3A_662 = arith.addf %mul3A_655, %get3A_661 : vector<16xf32>
      %swap3A_663 = arith.constant 1 : i32
      %swap3A_664 = arith.index_cast %swap3A_663 : i32 to index
      %swap3A_665 = arith.index_cast %scan3A_508 : i32 to index
      %swap3A_666 = arith.constant 80 : index
      %swap3A_667 = tpu.vector_load %arg10[%swap3A_664, %swap3A_665, %swap3A_666] {strides = array<i32>} : memref<2x128x128xf32, #tpu.memory_space<vmem>>, vector<1x1x16xf32>,
      %swap3A_668 = vector.shape_cast %swap3A_667 : vector<1x1x16xf32> to vector<16xf32>
      %swap3A_669 = vector.shape_cast %add3A_662 : vector<16xf32> to vector<1x1x16xf32>
      tpu.vector_store %arg10[%swap3A_664, %swap3A_665, %swap3A_666], %swap3A_669 {strides = array<i32>} : memref<2x128x128xf32, #tpu.memory_space<vmem>>, vector<1x1x16xf32>,
      %get3A_670 = arith.constant 1 : i32
      %get3A_671 = arith.index_cast %get3A_670 : i32 to index
      %get3A_672 = arith.index_cast %scan3A_508 : i32 to index
      %get3A_673 = arith.constant 96 : index
      %get3A_674 = tpu.vector_load %arg8[%get3A_671, %get3A_672, %get3A_673] {strides = array<i32>} : memref<2x128x128xf32, #tpu.memory_space<vmem>>, vector<1x1x16xf32>,
      %get3A_675 = vector.shape_cast %get3A_674 : vector<1x1x16xf32> to vector<16xf32>
      %get3A_676 = arith.constant 1 : i32
      %get3A_677 = arith.index_cast %get3A_676 : i32 to index
      %get3A_678 = arith.index_cast %scan3A_508 : i32 to index
      %get3A_679 = arith.constant 96 : index
      %get3A_680 = tpu.vector_load %arg10[%get3A_677, %get3A_678, %get3A_679] {strides = array<i32>} : memref<2x128x128xf32, #tpu.memory_space<vmem>>, vector<1x1x16xf32>,
      %get3A_681 = vector.shape_cast %get3A_680 : vector<1x1x16xf32> to vector<16xf32>
      %mul3A_682 = arith.mulf %get3A_675, %get3A_681 : vector<16xf32>
      %get3A_683 = arith.constant 1 : i32
      %get3A_684 = arith.index_cast %get3A_683 : i32 to index
      %get3A_685 = arith.index_cast %scan3A_508 : i32 to index
      %get3A_686 = arith.constant 96 : index
      %get3A_687 = tpu.vector_load %arg9[%get3A_684, %get3A_685, %get3A_686] {strides = array<i32>} : memref<2x128x128xf32, #tpu.memory_space<vmem>>, vector<1x1x16xf32>,
      %get3A_688 = vector.shape_cast %get3A_687 : vector<1x1x16xf32> to vector<16xf32>
      %add3A_689 = arith.addf %mul3A_682, %get3A_688 : vector<16xf32>
      %swap3A_690 = arith.constant 1 : i32
      %swap3A_691 = arith.index_cast %swap3A_690 : i32 to index
      %swap3A_692 = arith.index_cast %scan3A_508 : i32 to index
      %swap3A_693 = arith.constant 96 : index
      %swap3A_694 = tpu.vector_load %arg10[%swap3A_691, %swap3A_692, %swap3A_693] {strides = array<i32>} : memref<2x128x128xf32, #tpu.memory_space<vmem>>, vector<1x1x16xf32>,
      %swap3A_695 = vector.shape_cast %swap3A_694 : vector<1x1x16xf32> to vector<16xf32>
      %swap3A_696 = vector.shape_cast %add3A_689 : vector<16xf32> to vector<1x1x16xf32>
      tpu.vector_store %arg10[%swap3A_691, %swap3A_692, %swap3A_693], %swap3A_696 {strides = array<i32>} : memref<2x128x128xf32, #tpu.memory_space<vmem>>, vector<1x1x16xf32>,
      %get3A_697 = arith.constant 1 : i32
      %get3A_698 = arith.index_cast %get3A_697 : i32 to index
      %get3A_699 = arith.index_cast %scan3A_508 : i32 to index
      %get3A_700 = arith.constant 112 : index
      %get3A_701 = tpu.vector_load %arg8[%get3A_698, %get3A_699, %get3A_700] {strides = array<i32>} : memref<2x128x128xf32, #tpu.memory_space<vmem>>, vector<1x1x16xf32>,
      %get3A_702 = vector.shape_cast %get3A_701 : vector<1x1x16xf32> to vector<16xf32>
      %get3A_703 = arith.constant 1 : i32
      %get3A_704 = arith.index_cast %get3A_703 : i32 to index
      %get3A_705 = arith.index_cast %scan3A_508 : i32 to index
      %get3A_706 = arith.constant 112 : index
      %get3A_707 = tpu.vector_load %arg10[%get3A_704, %get3A_705, %get3A_706] {strides = array<i32>} : memref<2x128x128xf32, #tpu.memory_space<vmem>>, vector<1x1x16xf32>,
      %get3A_708 = vector.shape_cast %get3A_707 : vector<1x1x16xf32> to vector<16xf32>
      %mul3A_709 = arith.mulf %get3A_702, %get3A_708 : vector<16xf32>
      %get3A_710 = arith.constant 1 : i32
      %get3A_711 = arith.index_cast %get3A_710 : i32 to index
      %get3A_712 = arith.index_cast %scan3A_508 : i32 to index
      %get3A_713 = arith.constant 112 : index
      %get3A_714 = tpu.vector_load %arg9[%get3A_711, %get3A_712, %get3A_713] {strides = array<i32>} : memref<2x128x128xf32, #tpu.memory_space<vmem>>, vector<1x1x16xf32>,
      %get3A_715 = vector.shape_cast %get3A_714 : vector<1x1x16xf32> to vector<16xf32>
      %add3A_716 = arith.addf %mul3A_709, %get3A_715 : vector<16xf32>
      %swap3A_717 = arith.constant 1 : i32
      %swap3A_718 = arith.index_cast %swap3A_717 : i32 to index
      %swap3A_719 = arith.index_cast %scan3A_508 : i32 to index
      %swap3A_720 = arith.constant 112 : index
      %swap3A_721 = tpu.vector_load %arg10[%swap3A_718, %swap3A_719, %swap3A_720] {strides = array<i32>} : memref<2x128x128xf32, #tpu.memory_space<vmem>>, vector<1x1x16xf32>,
      %swap3A_722 = vector.shape_cast %swap3A_721 : vector<1x1x16xf32> to vector<16xf32>
      %swap3A_723 = vector.shape_cast %add3A_716 : vector<16xf32> to vector<1x1x16xf32>
      tpu.vector_store %arg10[%swap3A_718, %swap3A_719, %swap3A_720], %swap3A_723 {strides = array<i32>} : memref<2x128x128xf32, #tpu.memory_space<vmem>>, vector<1x1x16xf32>,
      %scan3A_724 = arith.constant 0 : i32
      scf.yield %scan3A_724 : i32
    }
    %scan3A_263 = arith.constant 128 : i32
    %add3A_264 = arith.constant 128 : i32
    %add3A_265 = arith.addi %mul3A_2, %add3A_264 : i32
    %dma_start3A_266 = arith.constant 1 : i32
    %dma_start3A_267 = arith.constant 1 : i32
    %dma_start3A_268 = arith.constant 0 : i32
    %dma_start3A_269 = arith.constant 0 : i32
    %dma_start3A_270 = tpu.memref_slice %arg10[%dma_start3A_266, %dma_start3A_268, %dma_start3A_269] : memref<2x128x128xf32, #tpu.memory_space<vmem>> -> memref<1x128x128xf32, #tpu.memory_space<vmem>>
    %dma_start3A_271 = tpu.memref_squeeze %dma_start3A_270 : memref<1x128x128xf32, #tpu.memory_space<vmem>> -> memref<128x128xf32, #tpu.memory_space<vmem>>
    %dma_start3A_272 = arith.constant 0 : i32
    %dma_start3A_273 = tpu.memref_slice %arg6[%add3A_265, %dma_start3A_272] : memref<16384x128xf32, #tpu.memory_space<hbm>> -> memref<128x128xf32, #tpu.memory_space<hbm>>
    %dma_start3A_274 = tpu.memref_slice %arg14[%dma_start3A_267] : memref<2x!tpu.dma_semaphore, #tpu.memory_space<semaphore_mem>> -> memref<1x!tpu.dma_semaphore, #tpu.memory_space<semaphore_mem>>
    %dma_start3A_275 = tpu.memref_squeeze %dma_start3A_274 : memref<1x!tpu.dma_semaphore, #tpu.memory_space<semaphore_mem>> -> memref<!tpu.dma_semaphore, #tpu.memory_space<semaphore_mem>>
    %dma_start3A_276 = arith.constant 0 : i32
    %dma_start3A_277 = tpu.memref_slice %arg6[%add3A_265, %dma_start3A_276] : memref<16384x128xf32, #tpu.memory_space<hbm>> -> memref<128x128xf32, #tpu.memory_space<hbm>>
    %dma_start3A_278 = arith.constant 0 : i32
    %dma_start3A_279 = arith.constant 0 : i32
    %dma_start3A_280 = tpu.memref_slice %arg10[%dma_start3A_266, %dma_start3A_278, %dma_start3A_279] : memref<2x128x128xf32, #tpu.memory_space<vmem>> -> memref<1x128x128xf32, #tpu.memory_space<vmem>>
    %dma_start3A_281 = tpu.memref_squeeze %dma_start3A_280 : memref<1x128x128xf32, #tpu.memory_space<vmem>> -> memref<128x128xf32, #tpu.memory_space<vmem>>
    tpu.enqueue_dma source(%dma_start3A_281 : memref<128x128xf32, #tpu.memory_space<vmem>>) target(%dma_start3A_277 : memref<128x128xf32, #tpu.memory_space<hbm>>) target_semaphore(%dma_start3A_275 : memref<!tpu.dma_semaphore, #tpu.memory_space<semaphore_mem>>)
    %dma_wait3A_282 = arith.constant 1 : i32
    %dma_wait3A_283 = arith.constant 1 : i32
    %dma_wait3A_284 = arith.constant 0 : i32
    %dma_wait3A_285 = arith.constant 0 : i32
    %dma_wait3A_286 = tpu.memref_slice %arg10[%dma_wait3A_282, %dma_wait3A_284, %dma_wait3A_285] : memref<2x128x128xf32, #tpu.memory_space<vmem>> -> memref<1x128x128xf32, #tpu.memory_space<vmem>>
    %dma_wait3A_287 = tpu.memref_squeeze %dma_wait3A_286 : memref<1x128x128xf32, #tpu.memory_space<vmem>> -> memref<128x128xf32, #tpu.memory_space<vmem>>
    %dma_wait3A_288 = arith.constant 0 : i32
    %dma_wait3A_289 = tpu.memref_slice %arg6[%add3A_265, %dma_wait3A_288] : memref<16384x128xf32, #tpu.memory_space<hbm>> -> memref<128x128xf32, #tpu.memory_space<hbm>>
    %dma_wait3A_290 = tpu.memref_slice %arg14[%dma_wait3A_283] : memref<2x!tpu.dma_semaphore, #tpu.memory_space<semaphore_mem>> -> memref<1x!tpu.dma_semaphore, #tpu.memory_space<semaphore_mem>>
    %dma_wait3A_291 = tpu.memref_squeeze %dma_wait3A_290 : memref<1x!tpu.dma_semaphore, #tpu.memory_space<semaphore_mem>> -> memref<!tpu.dma_semaphore, #tpu.memory_space<semaphore_mem>>
    %dma_wait3A_292 = arith.constant 0 : i32
    %dma_wait3A_293 = tpu.memref_slice %arg6[%add3A_265, %dma_wait3A_292] : memref<16384x128xf32, #tpu.memory_space<hbm>> -> memref<128x128xf32, #tpu.memory_space<hbm>>
    %dma_wait3A_294 = arith.constant 0 : i32
    %dma_wait3A_295 = arith.constant 0 : i32
    %dma_wait3A_296 = tpu.memref_slice %arg10[%dma_wait3A_282, %dma_wait3A_294, %dma_wait3A_295] : memref<2x128x128xf32, #tpu.memory_space<vmem>> -> memref<1x128x128xf32, #tpu.memory_space<vmem>>
    %dma_wait3A_297 = tpu.memref_squeeze %dma_wait3A_296 : memref<1x128x128xf32, #tpu.memory_space<vmem>> -> memref<128x128xf32, #tpu.memory_space<vmem>>
    tpu.wait_dma2 semaphore(%dma_wait3A_291 : memref<!tpu.dma_semaphore, #tpu.memory_space<semaphore_mem>>) src(%dma_wait3A_297 : memref<128x128xf32, #tpu.memory_space<vmem>>) dst(%dma_wait3A_293 : memref<128x128xf32, #tpu.memory_space<hbm>>)
    %dma_start3A_298 = arith.constant 1 : i32
    %dma_start3A_299 = arith.constant 1 : i32
    %dma_start3A_300 = arith.constant 0 : i32
    %dma_start3A_301 = arith.constant 0 : i32
    %dma_start3A_302 = tpu.memref_slice %arg8[%dma_start3A_298, %dma_start3A_300, %dma_start3A_301] : memref<2x128x128xf32, #tpu.memory_space<vmem>> -> memref<1x128x128xf32, #tpu.memory_space<vmem>>
    %dma_start3A_303 = tpu.memref_squeeze %dma_start3A_302 : memref<1x128x128xf32, #tpu.memory_space<vmem>> -> memref<128x128xf32, #tpu.memory_space<vmem>>
    %dma_start3A_304 = arith.constant 384 : i32
    %dma_start3A_305 = tpu.memref_slice %arg7[%dma_start3A_304] : memref<512xi32, #tpu.memory_space<vmem>> -> memref<128xi32, #tpu.memory_space<vmem>>
    %dma_start3A_306 = arith.constant 0 : i32
    %dma_start3A_307 = arith.constant 0 : i32
    %dma_start3A_308 = tpu.memref_slice %arg4[%dma_start3A_306, %dma_start3A_307] : memref<1000x128xf32, #tpu.memory_space<hbm>> -> memref<1000x128xf32, #tpu.memory_space<hbm>>
    %dma_start3A_309 = tpu.memref_slice %arg11[%dma_start3A_299] : memref<2x!tpu.dma_semaphore, #tpu.memory_space<semaphore_mem>> -> memref<1x!tpu.dma_semaphore, #tpu.memory_space<semaphore_mem>>
    %dma_start3A_310 = tpu.memref_squeeze %dma_start3A_309 : memref<1x!tpu.dma_semaphore, #tpu.memory_space<semaphore_mem>> -> memref<!tpu.dma_semaphore, #tpu.memory_space<semaphore_mem>>
    tpu.enqueue_indirect_dma source(%dma_start3A_308 : memref<1000x128xf32, #tpu.memory_space<hbm>>) target(%dma_start3A_303 : memref<128x128xf32, #tpu.memory_space<vmem>>) offsets(%dma_start3A_305 : memref<128xi32, #tpu.memory_space<vmem>>) semaphore(%dma_start3A_310 : memref<!tpu.dma_semaphore, #tpu.memory_space<semaphore_mem>>)
    %dma_start3A_311 = arith.constant 1 : i32
    %dma_start3A_312 = arith.constant 1 : i32
    %dma_start3A_313 = arith.constant 0 : i32
    %dma_start3A_314 = arith.constant 0 : i32
    %dma_start3A_315 = tpu.memref_slice %arg9[%dma_start3A_311, %dma_start3A_313, %dma_start3A_314] : memref<2x128x128xf32, #tpu.memory_space<vmem>> -> memref<1x128x128xf32, #tpu.memory_space<vmem>>
    %dma_start3A_316 = tpu.memref_squeeze %dma_start3A_315 : memref<1x128x128xf32, #tpu.memory_space<vmem>> -> memref<128x128xf32, #tpu.memory_space<vmem>>
    %dma_start3A_317 = arith.constant 384 : i32
    %dma_start3A_318 = tpu.memref_slice %arg7[%dma_start3A_317] : memref<512xi32, #tpu.memory_space<vmem>> -> memref<128xi32, #tpu.memory_space<vmem>>
    %dma_start3A_319 = arith.constant 0 : i32
    %dma_start3A_320 = arith.constant 0 : i32
    %dma_start3A_321 = tpu.memref_slice %arg5[%dma_start3A_319, %dma_start3A_320] : memref<1000x128xf32, #tpu.memory_space<hbm>> -> memref<1000x128xf32, #tpu.memory_space<hbm>>
    %dma_start3A_322 = tpu.memref_slice %arg12[%dma_start3A_312] : memref<2x!tpu.dma_semaphore, #tpu.memory_space<semaphore_mem>> -> memref<1x!tpu.dma_semaphore, #tpu.memory_space<semaphore_mem>>
    %dma_start3A_323 = tpu.memref_squeeze %dma_start3A_322 : memref<1x!tpu.dma_semaphore, #tpu.memory_space<semaphore_mem>> -> memref<!tpu.dma_semaphore, #tpu.memory_space<semaphore_mem>>
    tpu.enqueue_indirect_dma source(%dma_start3A_321 : memref<1000x128xf32, #tpu.memory_space<hbm>>) target(%dma_start3A_316 : memref<128x128xf32, #tpu.memory_space<vmem>>) offsets(%dma_start3A_318 : memref<128xi32, #tpu.memory_space<vmem>>) semaphore(%dma_start3A_323 : memref<!tpu.dma_semaphore, #tpu.memory_space<semaphore_mem>>)
    %add3A_324 = arith.constant 384 : i32
    %add3A_325 = arith.addi %mul3A_2, %add3A_324 : i32
    %dma_start3A_326 = arith.constant 1 : i32
    %dma_start3A_327 = arith.constant 1 : i32
    %dma_start3A_328 = arith.constant 0 : i32
    %dma_start3A_329 = arith.constant 0 : i32
    %dma_start3A_330 = tpu.memref_slice %arg10[%dma_start3A_326, %dma_start3A_328, %dma_start3A_329] : memref<2x128x128xf32, #tpu.memory_space<vmem>> -> memref<1x128x128xf32, #tpu.memory_space<vmem>>
    %dma_start3A_331 = tpu.memref_squeeze %dma_start3A_330 : memref<1x128x128xf32, #tpu.memory_space<vmem>> -> memref<128x128xf32, #tpu.memory_space<vmem>>
    %dma_start3A_332 = arith.constant 0 : i32
    %dma_start3A_333 = tpu.memref_slice %arg2[%add3A_325, %dma_start3A_332] : memref<16384x128xf32, #tpu.memory_space<hbm>> -> memref<128x128xf32, #tpu.memory_space<hbm>>
    %dma_start3A_334 = tpu.memref_slice %arg13[%dma_start3A_327] : memref<2x!tpu.dma_semaphore, #tpu.memory_space<semaphore_mem>> -> memref<1x!tpu.dma_semaphore, #tpu.memory_space<semaphore_mem>>
    %dma_start3A_335 = tpu.memref_squeeze %dma_start3A_334 : memref<1x!tpu.dma_semaphore, #tpu.memory_space<semaphore_mem>> -> memref<!tpu.dma_semaphore, #tpu.memory_space<semaphore_mem>>
    %dma_start3A_336 = arith.constant 0 : i32
    %dma_start3A_337 = arith.constant 0 : i32
    %dma_start3A_338 = tpu.memref_slice %arg10[%dma_start3A_326, %dma_start3A_336, %dma_start3A_337] : memref<2x128x128xf32, #tpu.memory_space<vmem>> -> memref<1x128x128xf32, #tpu.memory_space<vmem>>
    %dma_start3A_339 = tpu.memref_squeeze %dma_start3A_338 : memref<1x128x128xf32, #tpu.memory_space<vmem>> -> memref<128x128xf32, #tpu.memory_space<vmem>>
    %dma_start3A_340 = arith.constant 0 : i32
    %dma_start3A_341 = tpu.memref_slice %arg2[%add3A_325, %dma_start3A_340] : memref<16384x128xf32, #tpu.memory_space<hbm>> -> memref<128x128xf32, #tpu.memory_space<hbm>>
    tpu.enqueue_dma source(%dma_start3A_341 : memref<128x128xf32, #tpu.memory_space<hbm>>) target(%dma_start3A_339 : memref<128x128xf32, #tpu.memory_space<vmem>>) target_semaphore(%dma_start3A_335 : memref<!tpu.dma_semaphore, #tpu.memory_space<semaphore_mem>>)
    %dma_wait3A_342 = arith.constant 0 : i32
    %dma_wait3A_343 = arith.constant 0 : i32
    %dma_wait3A_344 = arith.constant 0 : i32
    %dma_wait3A_345 = arith.constant 0 : i32
    %dma_wait3A_346 = tpu.memref_slice %arg8[%dma_wait3A_342, %dma_wait3A_344, %dma_wait3A_345] : memref<2x128x128xf32, #tpu.memory_space<vmem>> -> memref<1x128x128xf32, #tpu.memory_space<vmem>>
    %dma_wait3A_347 = tpu.memref_squeeze %dma_wait3A_346 : memref<1x128x128xf32, #tpu.memory_space<vmem>> -> memref<128x128xf32, #tpu.memory_space<vmem>>
    %dma_wait3A_348 = arith.constant 256 : i32
    %dma_wait3A_349 = tpu.memref_slice %arg7[%dma_wait3A_348] : memref<512xi32, #tpu.memory_space<vmem>> -> memref<128xi32, #tpu.memory_space<vmem>>
    %dma_wait3A_350 = arith.constant 0 : i32
    %dma_wait3A_351 = arith.constant 0 : i32
    %dma_wait3A_352 = tpu.memref_slice %arg4[%dma_wait3A_350, %dma_wait3A_351] : memref<1000x128xf32, #tpu.memory_space<hbm>> -> memref<1000x128xf32, #tpu.memory_space<hbm>>
    %dma_wait3A_353 = tpu.memref_slice %arg11[%dma_wait3A_343] : memref<2x!tpu.dma_semaphore, #tpu.memory_space<semaphore_mem>> -> memref<1x!tpu.dma_semaphore, #tpu.memory_space<semaphore_mem>>
    %dma_wait3A_354 = tpu.memref_squeeze %dma_wait3A_353 : memref<1x!tpu.dma_semaphore, #tpu.memory_space<semaphore_mem>> -> memref<!tpu.dma_semaphore, #tpu.memory_space<semaphore_mem>>
    tpu.wait_indirect_dma semaphore(%dma_wait3A_354 : memref<!tpu.dma_semaphore, #tpu.memory_space<semaphore_mem>>) src(%dma_wait3A_352 : memref<1000x128xf32, #tpu.memory_space<hbm>>) dst(%dma_wait3A_347 : memref<128x128xf32, #tpu.memory_space<vmem>>)
    %dma_wait3A_355 = arith.constant 0 : i32
    %dma_wait3A_356 = arith.constant 0 : i32
    %dma_wait3A_357 = arith.constant 0 : i32
    %dma_wait3A_358 = arith.constant 0 : i32
    %dma_wait3A_359 = tpu.memref_slice %arg9[%dma_wait3A_355, %dma_wait3A_357, %dma_wait3A_358] : memref<2x128x128xf32, #tpu.memory_space<vmem>> -> memref<1x128x128xf32, #tpu.memory_space<vmem>>
    %dma_wait3A_360 = tpu.memref_squeeze %dma_wait3A_359 : memref<1x128x128xf32, #tpu.memory_space<vmem>> -> memref<128x128xf32, #tpu.memory_space<vmem>>
    %dma_wait3A_361 = arith.constant 256 : i32
    %dma_wait3A_362 = tpu.memref_slice %arg7[%dma_wait3A_361] : memref<512xi32, #tpu.memory_space<vmem>> -> memref<128xi32, #tpu.memory_space<vmem>>
    %dma_wait3A_363 = arith.constant 0 : i32
    %dma_wait3A_364 = arith.constant 0 : i32
    %dma_wait3A_365 = tpu.memref_slice %arg5[%dma_wait3A_363, %dma_wait3A_364] : memref<1000x128xf32, #tpu.memory_space<hbm>> -> memref<1000x128xf32, #tpu.memory_space<hbm>>
    %dma_wait3A_366 = tpu.memref_slice %arg12[%dma_wait3A_356] : memref<2x!tpu.dma_semaphore, #tpu.memory_space<semaphore_mem>> -> memref<1x!tpu.dma_semaphore, #tpu.memory_space<semaphore_mem>>
    %dma_wait3A_367 = tpu.memref_squeeze %dma_wait3A_366 : memref<1x!tpu.dma_semaphore, #tpu.memory_space<semaphore_mem>> -> memref<!tpu.dma_semaphore, #tpu.memory_space<semaphore_mem>>
    tpu.wait_indirect_dma semaphore(%dma_wait3A_367 : memref<!tpu.dma_semaphore, #tpu.memory_space<semaphore_mem>>) src(%dma_wait3A_365 : memref<1000x128xf32, #tpu.memory_space<hbm>>) dst(%dma_wait3A_360 : memref<128x128xf32, #tpu.memory_space<vmem>>)
    %dma_wait3A_368 = arith.constant 0 : i32
    %dma_wait3A_369 = arith.constant 0 : i32
    %dma_wait3A_370 = arith.constant 0 : i32
    %dma_wait3A_371 = arith.constant 0 : i32
    %dma_wait3A_372 = tpu.memref_slice %arg10[%dma_wait3A_368, %dma_wait3A_370, %dma_wait3A_371] : memref<2x128x128xf32, #tpu.memory_space<vmem>> -> memref<1x128x128xf32, #tpu.memory_space<vmem>>
    %dma_wait3A_373 = tpu.memref_squeeze %dma_wait3A_372 : memref<1x128x128xf32, #tpu.memory_space<vmem>> -> memref<128x128xf32, #tpu.memory_space<vmem>>
    %dma_wait3A_374 = arith.constant 0 : i32
    %dma_wait3A_375 = tpu.memref_slice %arg2[%add3A_198, %dma_wait3A_374] : memref<16384x128xf32, #tpu.memory_space<hbm>> -> memref<128x128xf32, #tpu.memory_space<hbm>>
    %dma_wait3A_376 = tpu.memref_slice %arg13[%dma_wait3A_369] : memref<2x!tpu.dma_semaphore, #tpu.memory_space<semaphore_mem>> -> memref<1x!tpu.dma_semaphore, #tpu.memory_space<semaphore_mem>>
    %dma_wait3A_377 = tpu.memref_squeeze %dma_wait3A_376 : memref<1x!tpu.dma_semaphore, #tpu.memory_space<semaphore_mem>> -> memref<!tpu.dma_semaphore, #tpu.memory_space<semaphore_mem>>
    %dma_wait3A_378 = arith.constant 0 : i32
    %dma_wait3A_379 = arith.constant 0 : i32
    %dma_wait3A_380 = tpu.memref_slice %arg10[%dma_wait3A_368, %dma_wait3A_378, %dma_wait3A_379] : memref<2x128x128xf32, #tpu.memory_space<vmem>> -> memref<1x128x128xf32, #tpu.memory_space<vmem>>
    %dma_wait3A_381 = tpu.memref_squeeze %dma_wait3A_380 : memref<1x128x128xf32, #tpu.memory_space<vmem>> -> memref<128x128xf32, #tpu.memory_space<vmem>>
    %dma_wait3A_382 = arith.constant 0 : i32
    %dma_wait3A_383 = tpu.memref_slice %arg2[%add3A_198, %dma_wait3A_382] : memref<16384x128xf32, #tpu.memory_space<hbm>> -> memref<128x128xf32, #tpu.memory_space<hbm>>
    tpu.wait_dma2 semaphore(%dma_wait3A_377 : memref<!tpu.dma_semaphore, #tpu.memory_space<semaphore_mem>>) src(%dma_wait3A_383 : memref<128x128xf32, #tpu.memory_space<hbm>>) dst(%dma_wait3A_381 : memref<128x128xf32, #tpu.memory_space<vmem>>)
    %scan3A_384 = arith.constant 0 : i32
    %scan3A_385 = arith.constant 0 : i32
    %scan3A_386 = arith.constant 128 : i32
    %scan3A_387 = arith.addi %scan3A_385, %scan3A_386 : i32
    %scan3A_388 = arith.constant 1 : i32
    %scan3A_389 = scf.for %scan3A_508 = %scan3A_385 to %scan3A_387 step %scan3A_388 iter_args(%scan3A_509 = %scan3A_384) -> (i32)  : i32 {
      %get3A = arith.constant 0 : i32
      %get3A_510 = arith.index_cast %get3A : i32 to index
      %get3A_511 = arith.index_cast %scan3A_508 : i32 to index
      %get3A_512 = arith.constant 0 : index
      %get3A_513 = tpu.vector_load %arg8[%get3A_510, %get3A_511, %get3A_512] {strides = array<i32>} : memref<2x128x128xf32, #tpu.memory_space<vmem>>, vector<1x1x16xf32>,
      %get3A_514 = vector.shape_cast %get3A_513 : vector<1x1x16xf32> to vector<16xf32>
      %get3A_515 = arith.constant 0 : i32
      %get3A_516 = arith.index_cast %get3A_515 : i32 to index
      %get3A_517 = arith.index_cast %scan3A_508 : i32 to index
      %get3A_518 = arith.constant 0 : index
      %get3A_519 = tpu.vector_load %arg10[%get3A_516, %get3A_517, %get3A_518] {strides = array<i32>} : memref<2x128x128xf32, #tpu.memory_space<vmem>>, vector<1x1x16xf32>,
      %get3A_520 = vector.shape_cast %get3A_519 : vector<1x1x16xf32> to vector<16xf32>
      %mul3A_521 = arith.mulf %get3A_514, %get3A_520 : vector<16xf32>
      %get3A_522 = arith.constant 0 : i32
      %get3A_523 = arith.index_cast %get3A_522 : i32 to index
      %get3A_524 = arith.index_cast %scan3A_508 : i32 to index
      %get3A_525 = arith.constant 0 : index
      %get3A_526 = tpu.vector_load %arg9[%get3A_523, %get3A_524, %get3A_525] {strides = array<i32>} : memref<2x128x128xf32, #tpu.memory_space<vmem>>, vector<1x1x16xf32>,
      %get3A_527 = vector.shape_cast %get3A_526 : vector<1x1x16xf32> to vector<16xf32>
      %add3A_528 = arith.addf %mul3A_521, %get3A_527 : vector<16xf32>
      %swap3A = arith.constant 0 : i32
      %swap3A_529 = arith.index_cast %swap3A : i32 to index
      %swap3A_530 = arith.index_cast %scan3A_508 : i32 to index
      %swap3A_531 = arith.constant 0 : index
      %swap3A_532 = tpu.vector_load %arg10[%swap3A_529, %swap3A_530, %swap3A_531] {strides = array<i32>} : memref<2x128x128xf32, #tpu.memory_space<vmem>>, vector<1x1x16xf32>,
      %swap3A_533 = vector.shape_cast %swap3A_532 : vector<1x1x16xf32> to vector<16xf32>
      %swap3A_534 = vector.shape_cast %add3A_528 : vector<16xf32> to vector<1x1x16xf32>
      tpu.vector_store %arg10[%swap3A_529, %swap3A_530, %swap3A_531], %swap3A_534 {strides = array<i32>} : memref<2x128x128xf32, #tpu.memory_space<vmem>>, vector<1x1x16xf32>,
      %get3A_535 = arith.constant 0 : i32
      %get3A_536 = arith.index_cast %get3A_535 : i32 to index
      %get3A_537 = arith.index_cast %scan3A_508 : i32 to index
      %get3A_538 = arith.constant 16 : index
      %get3A_539 = tpu.vector_load %arg8[%get3A_536, %get3A_537, %get3A_538] {strides = array<i32>} : memref<2x128x128xf32, #tpu.memory_space<vmem>>, vector<1x1x16xf32>,
      %get3A_540 = vector.shape_cast %get3A_539 : vector<1x1x16xf32> to vector<16xf32>
      %get3A_541 = arith.constant 0 : i32
      %get3A_542 = arith.index_cast %get3A_541 : i32 to index
      %get3A_543 = arith.index_cast %scan3A_508 : i32 to index
      %get3A_544 = arith.constant 16 : index
      %get3A_545 = tpu.vector_load %arg10[%get3A_542, %get3A_543, %get3A_544] {strides = array<i32>} : memref<2x128x128xf32, #tpu.memory_space<vmem>>, vector<1x1x16xf32>,
      %get3A_546 = vector.shape_cast %get3A_545 : vector<1x1x16xf32> to vector<16xf32>
      %mul3A_547 = arith.mulf %get3A_540, %get3A_546 : vector<16xf32>
      %get3A_548 = arith.constant 0 : i32
      %get3A_549 = arith.index_cast %get3A_548 : i32 to index
      %get3A_550 = arith.index_cast %scan3A_508 : i32 to index
      %get3A_551 = arith.constant 16 : index
      %get3A_552 = tpu.vector_load %arg9[%get3A_549, %get3A_550, %get3A_551] {strides = array<i32>} : memref<2x128x128xf32, #tpu.memory_space<vmem>>, vector<1x1x16xf32>,
      %get3A_553 = vector.shape_cast %get3A_552 : vector<1x1x16xf32> to vector<16xf32>
      %add3A_554 = arith.addf %mul3A_547, %get3A_553 : vector<16xf32>
      %swap3A_555 = arith.constant 0 : i32
      %swap3A_556 = arith.index_cast %swap3A_555 : i32 to index
      %swap3A_557 = arith.index_cast %scan3A_508 : i32 to index
      %swap3A_558 = arith.constant 16 : index
      %swap3A_559 = tpu.vector_load %arg10[%swap3A_556, %swap3A_557, %swap3A_558] {strides = array<i32>} : memref<2x128x128xf32, #tpu.memory_space<vmem>>, vector<1x1x16xf32>,
      %swap3A_560 = vector.shape_cast %swap3A_559 : vector<1x1x16xf32> to vector<16xf32>
      %swap3A_561 = vector.shape_cast %add3A_554 : vector<16xf32> to vector<1x1x16xf32>
      tpu.vector_store %arg10[%swap3A_556, %swap3A_557, %swap3A_558], %swap3A_561 {strides = array<i32>} : memref<2x128x128xf32, #tpu.memory_space<vmem>>, vector<1x1x16xf32>,
      %get3A_562 = arith.constant 0 : i32
      %get3A_563 = arith.index_cast %get3A_562 : i32 to index
      %get3A_564 = arith.index_cast %scan3A_508 : i32 to index
      %get3A_565 = arith.constant 32 : index
      %get3A_566 = tpu.vector_load %arg8[%get3A_563, %get3A_564, %get3A_565] {strides = array<i32>} : memref<2x128x128xf32, #tpu.memory_space<vmem>>, vector<1x1x16xf32>,
      %get3A_567 = vector.shape_cast %get3A_566 : vector<1x1x16xf32> to vector<16xf32>
      %get3A_568 = arith.constant 0 : i32
      %get3A_569 = arith.index_cast %get3A_568 : i32 to index
      %get3A_570 = arith.index_cast %scan3A_508 : i32 to index
      %get3A_571 = arith.constant 32 : index
      %get3A_572 = tpu.vector_load %arg10[%get3A_569, %get3A_570, %get3A_571] {strides = array<i32>} : memref<2x128x128xf32, #tpu.memory_space<vmem>>, vector<1x1x16xf32>,
      %get3A_573 = vector.shape_cast %get3A_572 : vector<1x1x16xf32> to vector<16xf32>
      %mul3A_574 = arith.mulf %get3A_567, %get3A_573 : vector<16xf32>
      %get3A_575 = arith.constant 0 : i32
      %get3A_576 = arith.index_cast %get3A_575 : i32 to index
      %get3A_577 = arith.index_cast %scan3A_508 : i32 to index
      %get3A_578 = arith.constant 32 : index
      %get3A_579 = tpu.vector_load %arg9[%get3A_576, %get3A_577, %get3A_578] {strides = array<i32>} : memref<2x128x128xf32, #tpu.memory_space<vmem>>, vector<1x1x16xf32>,
      %get3A_580 = vector.shape_cast %get3A_579 : vector<1x1x16xf32> to vector<16xf32>
      %add3A_581 = arith.addf %mul3A_574, %get3A_580 : vector<16xf32>
      %swap3A_582 = arith.constant 0 : i32
      %swap3A_583 = arith.index_cast %swap3A_582 : i32 to index
      %swap3A_584 = arith.index_cast %scan3A_508 : i32 to index
      %swap3A_585 = arith.constant 32 : index
      %swap3A_586 = tpu.vector_load %arg10[%swap3A_583, %swap3A_584, %swap3A_585] {strides = array<i32>} : memref<2x128x128xf32, #tpu.memory_space<vmem>>, vector<1x1x16xf32>,
      %swap3A_587 = vector.shape_cast %swap3A_586 : vector<1x1x16xf32> to vector<16xf32>
      %swap3A_588 = vector.shape_cast %add3A_581 : vector<16xf32> to vector<1x1x16xf32>
      tpu.vector_store %arg10[%swap3A_583, %swap3A_584, %swap3A_585], %swap3A_588 {strides = array<i32>} : memref<2x128x128xf32, #tpu.memory_space<vmem>>, vector<1x1x16xf32>,
      %get3A_589 = arith.constant 0 : i32
      %get3A_590 = arith.index_cast %get3A_589 : i32 to index
      %get3A_591 = arith.index_cast %scan3A_508 : i32 to index
      %get3A_592 = arith.constant 48 : index
      %get3A_593 = tpu.vector_load %arg8[%get3A_590, %get3A_591, %get3A_592] {strides = array<i32>} : memref<2x128x128xf32, #tpu.memory_space<vmem>>, vector<1x1x16xf32>,
      %get3A_594 = vector.shape_cast %get3A_593 : vector<1x1x16xf32> to vector<16xf32>
      %get3A_595 = arith.constant 0 : i32
      %get3A_596 = arith.index_cast %get3A_595 : i32 to index
      %get3A_597 = arith.index_cast %scan3A_508 : i32 to index
      %get3A_598 = arith.constant 48 : index
      %get3A_599 = tpu.vector_load %arg10[%get3A_596, %get3A_597, %get3A_598] {strides = array<i32>} : memref<2x128x128xf32, #tpu.memory_space<vmem>>, vector<1x1x16xf32>,
      %get3A_600 = vector.shape_cast %get3A_599 : vector<1x1x16xf32> to vector<16xf32>
      %mul3A_601 = arith.mulf %get3A_594, %get3A_600 : vector<16xf32>
      %get3A_602 = arith.constant 0 : i32
      %get3A_603 = arith.index_cast %get3A_602 : i32 to index
      %get3A_604 = arith.index_cast %scan3A_508 : i32 to index
      %get3A_605 = arith.constant 48 : index
      %get3A_606 = tpu.vector_load %arg9[%get3A_603, %get3A_604, %get3A_605] {strides = array<i32>} : memref<2x128x128xf32, #tpu.memory_space<vmem>>, vector<1x1x16xf32>,
      %get3A_607 = vector.shape_cast %get3A_606 : vector<1x1x16xf32> to vector<16xf32>
      %add3A_608 = arith.addf %mul3A_601, %get3A_607 : vector<16xf32>
      %swap3A_609 = arith.constant 0 : i32
      %swap3A_610 = arith.index_cast %swap3A_609 : i32 to index
      %swap3A_611 = arith.index_cast %scan3A_508 : i32 to index
      %swap3A_612 = arith.constant 48 : index
      %swap3A_613 = tpu.vector_load %arg10[%swap3A_610, %swap3A_611, %swap3A_612] {strides = array<i32>} : memref<2x128x128xf32, #tpu.memory_space<vmem>>, vector<1x1x16xf32>,
      %swap3A_614 = vector.shape_cast %swap3A_613 : vector<1x1x16xf32> to vector<16xf32>
      %swap3A_615 = vector.shape_cast %add3A_608 : vector<16xf32> to vector<1x1x16xf32>
      tpu.vector_store %arg10[%swap3A_610, %swap3A_611, %swap3A_612], %swap3A_615 {strides = array<i32>} : memref<2x128x128xf32, #tpu.memory_space<vmem>>, vector<1x1x16xf32>,
      %get3A_616 = arith.constant 0 : i32
      %get3A_617 = arith.index_cast %get3A_616 : i32 to index
      %get3A_618 = arith.index_cast %scan3A_508 : i32 to index
      %get3A_619 = arith.constant 64 : index
      %get3A_620 = tpu.vector_load %arg8[%get3A_617, %get3A_618, %get3A_619] {strides = array<i32>} : memref<2x128x128xf32, #tpu.memory_space<vmem>>, vector<1x1x16xf32>,
      %get3A_621 = vector.shape_cast %get3A_620 : vector<1x1x16xf32> to vector<16xf32>
      %get3A_622 = arith.constant 0 : i32
      %get3A_623 = arith.index_cast %get3A_622 : i32 to index
      %get3A_624 = arith.index_cast %scan3A_508 : i32 to index
      %get3A_625 = arith.constant 64 : index
      %get3A_626 = tpu.vector_load %arg10[%get3A_623, %get3A_624, %get3A_625] {strides = array<i32>} : memref<2x128x128xf32, #tpu.memory_space<vmem>>, vector<1x1x16xf32>,
      %get3A_627 = vector.shape_cast %get3A_626 : vector<1x1x16xf32> to vector<16xf32>
      %mul3A_628 = arith.mulf %get3A_621, %get3A_627 : vector<16xf32>
      %get3A_629 = arith.constant 0 : i32
      %get3A_630 = arith.index_cast %get3A_629 : i32 to index
      %get3A_631 = arith.index_cast %scan3A_508 : i32 to index
      %get3A_632 = arith.constant 64 : index
      %get3A_633 = tpu.vector_load %arg9[%get3A_630, %get3A_631, %get3A_632] {strides = array<i32>} : memref<2x128x128xf32, #tpu.memory_space<vmem>>, vector<1x1x16xf32>,
      %get3A_634 = vector.shape_cast %get3A_633 : vector<1x1x16xf32> to vector<16xf32>
      %add3A_635 = arith.addf %mul3A_628, %get3A_634 : vector<16xf32>
      %swap3A_636 = arith.constant 0 : i32
      %swap3A_637 = arith.index_cast %swap3A_636 : i32 to index
      %swap3A_638 = arith.index_cast %scan3A_508 : i32 to index
      %swap3A_639 = arith.constant 64 : index
      %swap3A_640 = tpu.vector_load %arg10[%swap3A_637, %swap3A_638, %swap3A_639] {strides = array<i32>} : memref<2x128x128xf32, #tpu.memory_space<vmem>>, vector<1x1x16xf32>,
      %swap3A_641 = vector.shape_cast %swap3A_640 : vector<1x1x16xf32> to vector<16xf32>
      %swap3A_642 = vector.shape_cast %add3A_635 : vector<16xf32> to vector<1x1x16xf32>
      tpu.vector_store %arg10[%swap3A_637, %swap3A_638, %swap3A_639], %swap3A_642 {strides = array<i32>} : memref<2x128x128xf32, #tpu.memory_space<vmem>>, vector<1x1x16xf32>,
      %get3A_643 = arith.constant 0 : i32
      %get3A_644 = arith.index_cast %get3A_643 : i32 to index
      %get3A_645 = arith.index_cast %scan3A_508 : i32 to index
      %get3A_646 = arith.constant 80 : index
      %get3A_647 = tpu.vector_load %arg8[%get3A_644, %get3A_645, %get3A_646] {strides = array<i32>} : memref<2x128x128xf32, #tpu.memory_space<vmem>>, vector<1x1x16xf32>,
      %get3A_648 = vector.shape_cast %get3A_647 : vector<1x1x16xf32> to vector<16xf32>
      %get3A_649 = arith.constant 0 : i32
      %get3A_650 = arith.index_cast %get3A_649 : i32 to index
      %get3A_651 = arith.index_cast %scan3A_508 : i32 to index
      %get3A_652 = arith.constant 80 : index
      %get3A_653 = tpu.vector_load %arg10[%get3A_650, %get3A_651, %get3A_652] {strides = array<i32>} : memref<2x128x128xf32, #tpu.memory_space<vmem>>, vector<1x1x16xf32>,
      %get3A_654 = vector.shape_cast %get3A_653 : vector<1x1x16xf32> to vector<16xf32>
      %mul3A_655 = arith.mulf %get3A_648, %get3A_654 : vector<16xf32>
      %get3A_656 = arith.constant 0 : i32
      %get3A_657 = arith.index_cast %get3A_656 : i32 to index
      %get3A_658 = arith.index_cast %scan3A_508 : i32 to index
      %get3A_659 = arith.constant 80 : index
      %get3A_660 = tpu.vector_load %arg9[%get3A_657, %get3A_658, %get3A_659] {strides = array<i32>} : memref<2x128x128xf32, #tpu.memory_space<vmem>>, vector<1x1x16xf32>,
      %get3A_661 = vector.shape_cast %get3A_660 : vector<1x1x16xf32> to vector<16xf32>
      %add3A_662 = arith.addf %mul3A_655, %get3A_661 : vector<16xf32>
      %swap3A_663 = arith.constant 0 : i32
      %swap3A_664 = arith.index_cast %swap3A_663 : i32 to index
      %swap3A_665 = arith.index_cast %scan3A_508 : i32 to index
      %swap3A_666 = arith.constant 80 : index
      %swap3A_667 = tpu.vector_load %arg10[%swap3A_664, %swap3A_665, %swap3A_666] {strides = array<i32>} : memref<2x128x128xf32, #tpu.memory_space<vmem>>, vector<1x1x16xf32>,
      %swap3A_668 = vector.shape_cast %swap3A_667 : vector<1x1x16xf32> to vector<16xf32>
      %swap3A_669 = vector.shape_cast %add3A_662 : vector<16xf32> to vector<1x1x16xf32>
      tpu.vector_store %arg10[%swap3A_664, %swap3A_665, %swap3A_666], %swap3A_669 {strides = array<i32>} : memref<2x128x128xf32, #tpu.memory_space<vmem>>, vector<1x1x16xf32>,
      %get3A_670 = arith.constant 0 : i32
      %get3A_671 = arith.index_cast %get3A_670 : i32 to index
      %get3A_672 = arith.index_cast %scan3A_508 : i32 to index
      %get3A_673 = arith.constant 96 : index
      %get3A_674 = tpu.vector_load %arg8[%get3A_671, %get3A_672, %get3A_673] {strides = array<i32>} : memref<2x128x128xf32, #tpu.memory_space<vmem>>, vector<1x1x16xf32>,
      %get3A_675 = vector.shape_cast %get3A_674 : vector<1x1x16xf32> to vector<16xf32>
      %get3A_676 = arith.constant 0 : i32
      %get3A_677 = arith.index_cast %get3A_676 : i32 to index
      %get3A_678 = arith.index_cast %scan3A_508 : i32 to index
      %get3A_679 = arith.constant 96 : index
      %get3A_680 = tpu.vector_load %arg10[%get3A_677, %get3A_678, %get3A_679] {strides = array<i32>} : memref<2x128x128xf32, #tpu.memory_space<vmem>>, vector<1x1x16xf32>,
      %get3A_681 = vector.shape_cast %get3A_680 : vector<1x1x16xf32> to vector<16xf32>
      %mul3A_682 = arith.mulf %get3A_675, %get3A_681 : vector<16xf32>
      %get3A_683 = arith.constant 0 : i32
      %get3A_684 = arith.index_cast %get3A_683 : i32 to index
      %get3A_685 = arith.index_cast %scan3A_508 : i32 to index
      %get3A_686 = arith.constant 96 : index
      %get3A_687 = tpu.vector_load %arg9[%get3A_684, %get3A_685, %get3A_686] {strides = array<i32>} : memref<2x128x128xf32, #tpu.memory_space<vmem>>, vector<1x1x16xf32>,
      %get3A_688 = vector.shape_cast %get3A_687 : vector<1x1x16xf32> to vector<16xf32>
      %add3A_689 = arith.addf %mul3A_682, %get3A_688 : vector<16xf32>
      %swap3A_690 = arith.constant 0 : i32
      %swap3A_691 = arith.index_cast %swap3A_690 : i32 to index
      %swap3A_692 = arith.index_cast %scan3A_508 : i32 to index
      %swap3A_693 = arith.constant 96 : index
      %swap3A_694 = tpu.vector_load %arg10[%swap3A_691, %swap3A_692, %swap3A_693] {strides = array<i32>} : memref<2x128x128xf32, #tpu.memory_space<vmem>>, vector<1x1x16xf32>,
      %swap3A_695 = vector.shape_cast %swap3A_694 : vector<1x1x16xf32> to vector<16xf32>
      %swap3A_696 = vector.shape_cast %add3A_689 : vector<16xf32> to vector<1x1x16xf32>
      tpu.vector_store %arg10[%swap3A_691, %swap3A_692, %swap3A_693], %swap3A_696 {strides = array<i32>} : memref<2x128x128xf32, #tpu.memory_space<vmem>>, vector<1x1x16xf32>,
      %get3A_697 = arith.constant 0 : i32
      %get3A_698 = arith.index_cast %get3A_697 : i32 to index
      %get3A_699 = arith.index_cast %scan3A_508 : i32 to index
      %get3A_700 = arith.constant 112 : index
      %get3A_701 = tpu.vector_load %arg8[%get3A_698, %get3A_699, %get3A_700] {strides = array<i32>} : memref<2x128x128xf32, #tpu.memory_space<vmem>>, vector<1x1x16xf32>,
      %get3A_702 = vector.shape_cast %get3A_701 : vector<1x1x16xf32> to vector<16xf32>
      %get3A_703 = arith.constant 0 : i32
      %get3A_704 = arith.index_cast %get3A_703 : i32 to index
      %get3A_705 = arith.index_cast %scan3A_508 : i32 to index
      %get3A_706 = arith.constant 112 : index
      %get3A_707 = tpu.vector_load %arg10[%get3A_704, %get3A_705, %get3A_706] {strides = array<i32>} : memref<2x128x128xf32, #tpu.memory_space<vmem>>, vector<1x1x16xf32>,
      %get3A_708 = vector.shape_cast %get3A_707 : vector<1x1x16xf32> to vector<16xf32>
      %mul3A_709 = arith.mulf %get3A_702, %get3A_708 : vector<16xf32>
      %get3A_710 = arith.constant 0 : i32
      %get3A_711 = arith.index_cast %get3A_710 : i32 to index
      %get3A_712 = arith.index_cast %scan3A_508 : i32 to index
      %get3A_713 = arith.constant 112 : index
      %get3A_714 = tpu.vector_load %arg9[%get3A_711, %get3A_712, %get3A_713] {strides = array<i32>} : memref<2x128x128xf32, #tpu.memory_space<vmem>>, vector<1x1x16xf32>,
      %get3A_715 = vector.shape_cast %get3A_714 : vector<1x1x16xf32> to vector<16xf32>
      %add3A_716 = arith.addf %mul3A_709, %get3A_715 : vector<16xf32>
      %swap3A_717 = arith.constant 0 : i32
      %swap3A_718 = arith.index_cast %swap3A_717 : i32 to index
      %swap3A_719 = arith.index_cast %scan3A_508 : i32 to index
      %swap3A_720 = arith.constant 112 : index
      %swap3A_721 = tpu.vector_load %arg10[%swap3A_718, %swap3A_719, %swap3A_720] {strides = array<i32>} : memref<2x128x128xf32, #tpu.memory_space<vmem>>, vector<1x1x16xf32>,
      %swap3A_722 = vector.shape_cast %swap3A_721 : vector<1x1x16xf32> to vector<16xf32>
      %swap3A_723 = vector.shape_cast %add3A_716 : vector<16xf32> to vector<1x1x16xf32>
      tpu.vector_store %arg10[%swap3A_718, %swap3A_719, %swap3A_720], %swap3A_723 {strides = array<i32>} : memref<2x128x128xf32, #tpu.memory_space<vmem>>, vector<1x1x16xf32>,
      %scan3A_724 = arith.constant 0 : i32
      scf.yield %scan3A_724 : i32
    }
    %scan3A_390 = arith.constant 128 : i32
    %add3A_391 = arith.constant 256 : i32
    %add3A_392 = arith.addi %mul3A_2, %add3A_391 : i32
    %dma_start3A_393 = arith.constant 0 : i32
    %dma_start3A_394 = arith.constant 0 : i32
    %dma_start3A_395 = arith.constant 0 : i32
    %dma_start3A_396 = arith.constant 0 : i32
    %dma_start3A_397 = tpu.memref_slice %arg10[%dma_start3A_393, %dma_start3A_395, %dma_start3A_396] : memref<2x128x128xf32, #tpu.memory_space<vmem>> -> memref<1x128x128xf32, #tpu.memory_space<vmem>>
    %dma_start3A_398 = tpu.memref_squeeze %dma_start3A_397 : memref<1x128x128xf32, #tpu.memory_space<vmem>> -> memref<128x128xf32, #tpu.memory_space<vmem>>
    %dma_start3A_399 = arith.constant 0 : i32
    %dma_start3A_400 = tpu.memref_slice %arg6[%add3A_392, %dma_start3A_399] : memref<16384x128xf32, #tpu.memory_space<hbm>> -> memref<128x128xf32, #tpu.memory_space<hbm>>
    %dma_start3A_401 = tpu.memref_slice %arg14[%dma_start3A_394] : memref<2x!tpu.dma_semaphore, #tpu.memory_space<semaphore_mem>> -> memref<1x!tpu.dma_semaphore, #tpu.memory_space<semaphore_mem>>
    %dma_start3A_402 = tpu.memref_squeeze %dma_start3A_401 : memref<1x!tpu.dma_semaphore, #tpu.memory_space<semaphore_mem>> -> memref<!tpu.dma_semaphore, #tpu.memory_space<semaphore_mem>>
    %dma_start3A_403 = arith.constant 0 : i32
    %dma_start3A_404 = tpu.memref_slice %arg6[%add3A_392, %dma_start3A_403] : memref<16384x128xf32, #tpu.memory_space<hbm>> -> memref<128x128xf32, #tpu.memory_space<hbm>>
    %dma_start3A_405 = arith.constant 0 : i32
    %dma_start3A_406 = arith.constant 0 : i32
    %dma_start3A_407 = tpu.memref_slice %arg10[%dma_start3A_393, %dma_start3A_405, %dma_start3A_406] : memref<2x128x128xf32, #tpu.memory_space<vmem>> -> memref<1x128x128xf32, #tpu.memory_space<vmem>>
    %dma_start3A_408 = tpu.memref_squeeze %dma_start3A_407 : memref<1x128x128xf32, #tpu.memory_space<vmem>> -> memref<128x128xf32, #tpu.memory_space<vmem>>
    tpu.enqueue_dma source(%dma_start3A_408 : memref<128x128xf32, #tpu.memory_space<vmem>>) target(%dma_start3A_404 : memref<128x128xf32, #tpu.memory_space<hbm>>) target_semaphore(%dma_start3A_402 : memref<!tpu.dma_semaphore, #tpu.memory_space<semaphore_mem>>)
    %dma_wait3A_409 = arith.constant 1 : i32
    %dma_wait3A_410 = arith.constant 1 : i32
    %dma_wait3A_411 = arith.constant 0 : i32
    %dma_wait3A_412 = arith.constant 0 : i32
    %dma_wait3A_413 = tpu.memref_slice %arg8[%dma_wait3A_409, %dma_wait3A_411, %dma_wait3A_412] : memref<2x128x128xf32, #tpu.memory_space<vmem>> -> memref<1x128x128xf32, #tpu.memory_space<vmem>>
    %dma_wait3A_414 = tpu.memref_squeeze %dma_wait3A_413 : memref<1x128x128xf32, #tpu.memory_space<vmem>> -> memref<128x128xf32, #tpu.memory_space<vmem>>
    %dma_wait3A_415 = arith.constant 384 : i32
    %dma_wait3A_416 = tpu.memref_slice %arg7[%dma_wait3A_415] : memref<512xi32, #tpu.memory_space<vmem>> -> memref<128xi32, #tpu.memory_space<vmem>>
    %dma_wait3A_417 = arith.constant 0 : i32
    %dma_wait3A_418 = arith.constant 0 : i32
    %dma_wait3A_419 = tpu.memref_slice %arg4[%dma_wait3A_417, %dma_wait3A_418] : memref<1000x128xf32, #tpu.memory_space<hbm>> -> memref<1000x128xf32, #tpu.memory_space<hbm>>
    %dma_wait3A_420 = tpu.memref_slice %arg11[%dma_wait3A_410] : memref<2x!tpu.dma_semaphore, #tpu.memory_space<semaphore_mem>> -> memref<1x!tpu.dma_semaphore, #tpu.memory_space<semaphore_mem>>
    %dma_wait3A_421 = tpu.memref_squeeze %dma_wait3A_420 : memref<1x!tpu.dma_semaphore, #tpu.memory_space<semaphore_mem>> -> memref<!tpu.dma_semaphore, #tpu.memory_space<semaphore_mem>>
    tpu.wait_indirect_dma semaphore(%dma_wait3A_421 : memref<!tpu.dma_semaphore, #tpu.memory_space<semaphore_mem>>) src(%dma_wait3A_419 : memref<1000x128xf32, #tpu.memory_space<hbm>>) dst(%dma_wait3A_414 : memref<128x128xf32, #tpu.memory_space<vmem>>)
    %dma_wait3A_422 = arith.constant 1 : i32
    %dma_wait3A_423 = arith.constant 1 : i32
    %dma_wait3A_424 = arith.constant 0 : i32
    %dma_wait3A_425 = arith.constant 0 : i32
    %dma_wait3A_426 = tpu.memref_slice %arg9[%dma_wait3A_422, %dma_wait3A_424, %dma_wait3A_425] : memref<2x128x128xf32, #tpu.memory_space<vmem>> -> memref<1x128x128xf32, #tpu.memory_space<vmem>>
    %dma_wait3A_427 = tpu.memref_squeeze %dma_wait3A_426 : memref<1x128x128xf32, #tpu.memory_space<vmem>> -> memref<128x128xf32, #tpu.memory_space<vmem>>
    %dma_wait3A_428 = arith.constant 384 : i32
    %dma_wait3A_429 = tpu.memref_slice %arg7[%dma_wait3A_428] : memref<512xi32, #tpu.memory_space<vmem>> -> memref<128xi32, #tpu.memory_space<vmem>>
    %dma_wait3A_430 = arith.constant 0 : i32
    %dma_wait3A_431 = arith.constant 0 : i32
    %dma_wait3A_432 = tpu.memref_slice %arg5[%dma_wait3A_430, %dma_wait3A_431] : memref<1000x128xf32, #tpu.memory_space<hbm>> -> memref<1000x128xf32, #tpu.memory_space<hbm>>
    %dma_wait3A_433 = tpu.memref_slice %arg12[%dma_wait3A_423] : memref<2x!tpu.dma_semaphore, #tpu.memory_space<semaphore_mem>> -> memref<1x!tpu.dma_semaphore, #tpu.memory_space<semaphore_mem>>
    %dma_wait3A_434 = tpu.memref_squeeze %dma_wait3A_433 : memref<1x!tpu.dma_semaphore, #tpu.memory_space<semaphore_mem>> -> memref<!tpu.dma_semaphore, #tpu.memory_space<semaphore_mem>>
    tpu.wait_indirect_dma semaphore(%dma_wait3A_434 : memref<!tpu.dma_semaphore, #tpu.memory_space<semaphore_mem>>) src(%dma_wait3A_432 : memref<1000x128xf32, #tpu.memory_space<hbm>>) dst(%dma_wait3A_427 : memref<128x128xf32, #tpu.memory_space<vmem>>)
    %dma_wait3A_435 = arith.constant 1 : i32
    %dma_wait3A_436 = arith.constant 1 : i32
    %dma_wait3A_437 = arith.constant 0 : i32
    %dma_wait3A_438 = arith.constant 0 : i32
    %dma_wait3A_439 = tpu.memref_slice %arg10[%dma_wait3A_435, %dma_wait3A_437, %dma_wait3A_438] : memref<2x128x128xf32, #tpu.memory_space<vmem>> -> memref<1x128x128xf32, #tpu.memory_space<vmem>>
    %dma_wait3A_440 = tpu.memref_squeeze %dma_wait3A_439 : memref<1x128x128xf32, #tpu.memory_space<vmem>> -> memref<128x128xf32, #tpu.memory_space<vmem>>
    %dma_wait3A_441 = arith.constant 0 : i32
    %dma_wait3A_442 = tpu.memref_slice %arg2[%add3A_325, %dma_wait3A_441] : memref<16384x128xf32, #tpu.memory_space<hbm>> -> memref<128x128xf32, #tpu.memory_space<hbm>>
    %dma_wait3A_443 = tpu.memref_slice %arg13[%dma_wait3A_436] : memref<2x!tpu.dma_semaphore, #tpu.memory_space<semaphore_mem>> -> memref<1x!tpu.dma_semaphore, #tpu.memory_space<semaphore_mem>>
    %dma_wait3A_444 = tpu.memref_squeeze %dma_wait3A_443 : memref<1x!tpu.dma_semaphore, #tpu.memory_space<semaphore_mem>> -> memref<!tpu.dma_semaphore, #tpu.memory_space<semaphore_mem>>
    %dma_wait3A_445 = arith.constant 0 : i32
    %dma_wait3A_446 = arith.constant 0 : i32
    %dma_wait3A_447 = tpu.memref_slice %arg10[%dma_wait3A_435, %dma_wait3A_445, %dma_wait3A_446] : memref<2x128x128xf32, #tpu.memory_space<vmem>> -> memref<1x128x128xf32, #tpu.memory_space<vmem>>
    %dma_wait3A_448 = tpu.memref_squeeze %dma_wait3A_447 : memref<1x128x128xf32, #tpu.memory_space<vmem>> -> memref<128x128xf32, #tpu.memory_space<vmem>>
    %dma_wait3A_449 = arith.constant 0 : i32
    %dma_wait3A_450 = tpu.memref_slice %arg2[%add3A_325, %dma_wait3A_449] : memref<16384x128xf32, #tpu.memory_space<hbm>> -> memref<128x128xf32, #tpu.memory_space<hbm>>
    tpu.wait_dma2 semaphore(%dma_wait3A_444 : memref<!tpu.dma_semaphore, #tpu.memory_space<semaphore_mem>>) src(%dma_wait3A_450 : memref<128x128xf32, #tpu.memory_space<hbm>>) dst(%dma_wait3A_448 : memref<128x128xf32, #tpu.memory_space<vmem>>)
    %scan3A_451 = arith.constant 0 : i32
    %scan3A_452 = arith.constant 0 : i32
    %scan3A_453 = arith.constant 128 : i32
    %scan3A_454 = arith.addi %scan3A_452, %scan3A_453 : i32
    %scan3A_455 = arith.constant 1 : i32
    %scan3A_456 = scf.for %scan3A_508 = %scan3A_452 to %scan3A_454 step %scan3A_455 iter_args(%scan3A_509 = %scan3A_451) -> (i32)  : i32 {
      %get3A = arith.constant 1 : i32
      %get3A_510 = arith.index_cast %get3A : i32 to index
      %get3A_511 = arith.index_cast %scan3A_508 : i32 to index
      %get3A_512 = arith.constant 0 : index
      %get3A_513 = tpu.vector_load %arg8[%get3A_510, %get3A_511, %get3A_512] {strides = array<i32>} : memref<2x128x128xf32, #tpu.memory_space<vmem>>, vector<1x1x16xf32>,
      %get3A_514 = vector.shape_cast %get3A_513 : vector<1x1x16xf32> to vector<16xf32>
      %get3A_515 = arith.constant 1 : i32
      %get3A_516 = arith.index_cast %get3A_515 : i32 to index
      %get3A_517 = arith.index_cast %scan3A_508 : i32 to index
      %get3A_518 = arith.constant 0 : index
      %get3A_519 = tpu.vector_load %arg10[%get3A_516, %get3A_517, %get3A_518] {strides = array<i32>} : memref<2x128x128xf32, #tpu.memory_space<vmem>>, vector<1x1x16xf32>,
      %get3A_520 = vector.shape_cast %get3A_519 : vector<1x1x16xf32> to vector<16xf32>
      %mul3A_521 = arith.mulf %get3A_514, %get3A_520 : vector<16xf32>
      %get3A_522 = arith.constant 1 : i32
      %get3A_523 = arith.index_cast %get3A_522 : i32 to index
      %get3A_524 = arith.index_cast %scan3A_508 : i32 to index
      %get3A_525 = arith.constant 0 : index
      %get3A_526 = tpu.vector_load %arg9[%get3A_523, %get3A_524, %get3A_525] {strides = array<i32>} : memref<2x128x128xf32, #tpu.memory_space<vmem>>, vector<1x1x16xf32>,
      %get3A_527 = vector.shape_cast %get3A_526 : vector<1x1x16xf32> to vector<16xf32>
      %add3A_528 = arith.addf %mul3A_521, %get3A_527 : vector<16xf32>
      %swap3A = arith.constant 1 : i32
      %swap3A_529 = arith.index_cast %swap3A : i32 to index
      %swap3A_530 = arith.index_cast %scan3A_508 : i32 to index
      %swap3A_531 = arith.constant 0 : index
      %swap3A_532 = tpu.vector_load %arg10[%swap3A_529, %swap3A_530, %swap3A_531] {strides = array<i32>} : memref<2x128x128xf32, #tpu.memory_space<vmem>>, vector<1x1x16xf32>,
      %swap3A_533 = vector.shape_cast %swap3A_532 : vector<1x1x16xf32> to vector<16xf32>
      %swap3A_534 = vector.shape_cast %add3A_528 : vector<16xf32> to vector<1x1x16xf32>
      tpu.vector_store %arg10[%swap3A_529, %swap3A_530, %swap3A_531], %swap3A_534 {strides = array<i32>} : memref<2x128x128xf32, #tpu.memory_space<vmem>>, vector<1x1x16xf32>,
      %get3A_535 = arith.constant 1 : i32
      %get3A_536 = arith.index_cast %get3A_535 : i32 to index
      %get3A_537 = arith.index_cast %scan3A_508 : i32 to index
      %get3A_538 = arith.constant 16 : index
      %get3A_539 = tpu.vector_load %arg8[%get3A_536, %get3A_537, %get3A_538] {strides = array<i32>} : memref<2x128x128xf32, #tpu.memory_space<vmem>>, vector<1x1x16xf32>,
      %get3A_540 = vector.shape_cast %get3A_539 : vector<1x1x16xf32> to vector<16xf32>
      %get3A_541 = arith.constant 1 : i32
      %get3A_542 = arith.index_cast %get3A_541 : i32 to index
      %get3A_543 = arith.index_cast %scan3A_508 : i32 to index
      %get3A_544 = arith.constant 16 : index
      %get3A_545 = tpu.vector_load %arg10[%get3A_542, %get3A_543, %get3A_544] {strides = array<i32>} : memref<2x128x128xf32, #tpu.memory_space<vmem>>, vector<1x1x16xf32>,
      %get3A_546 = vector.shape_cast %get3A_545 : vector<1x1x16xf32> to vector<16xf32>
      %mul3A_547 = arith.mulf %get3A_540, %get3A_546 : vector<16xf32>
      %get3A_548 = arith.constant 1 : i32
      %get3A_549 = arith.index_cast %get3A_548 : i32 to index
      %get3A_550 = arith.index_cast %scan3A_508 : i32 to index
      %get3A_551 = arith.constant 16 : index
      %get3A_552 = tpu.vector_load %arg9[%get3A_549, %get3A_550, %get3A_551] {strides = array<i32>} : memref<2x128x128xf32, #tpu.memory_space<vmem>>, vector<1x1x16xf32>,
      %get3A_553 = vector.shape_cast %get3A_552 : vector<1x1x16xf32> to vector<16xf32>
      %add3A_554 = arith.addf %mul3A_547, %get3A_553 : vector<16xf32>
      %swap3A_555 = arith.constant 1 : i32
      %swap3A_556 = arith.index_cast %swap3A_555 : i32 to index
      %swap3A_557 = arith.index_cast %scan3A_508 : i32 to index
      %swap3A_558 = arith.constant 16 : index
      %swap3A_559 = tpu.vector_load %arg10[%swap3A_556, %swap3A_557, %swap3A_558] {strides = array<i32>} : memref<2x128x128xf32, #tpu.memory_space<vmem>>, vector<1x1x16xf32>,
      %swap3A_560 = vector.shape_cast %swap3A_559 : vector<1x1x16xf32> to vector<16xf32>
      %swap3A_561 = vector.shape_cast %add3A_554 : vector<16xf32> to vector<1x1x16xf32>
      tpu.vector_store %arg10[%swap3A_556, %swap3A_557, %swap3A_558], %swap3A_561 {strides = array<i32>} : memref<2x128x128xf32, #tpu.memory_space<vmem>>, vector<1x1x16xf32>,
      %get3A_562 = arith.constant 1 : i32
      %get3A_563 = arith.index_cast %get3A_562 : i32 to index
      %get3A_564 = arith.index_cast %scan3A_508 : i32 to index
      %get3A_565 = arith.constant 32 : index
      %get3A_566 = tpu.vector_load %arg8[%get3A_563, %get3A_564, %get3A_565] {strides = array<i32>} : memref<2x128x128xf32, #tpu.memory_space<vmem>>, vector<1x1x16xf32>,
      %get3A_567 = vector.shape_cast %get3A_566 : vector<1x1x16xf32> to vector<16xf32>
      %get3A_568 = arith.constant 1 : i32
      %get3A_569 = arith.index_cast %get3A_568 : i32 to index
      %get3A_570 = arith.index_cast %scan3A_508 : i32 to index
      %get3A_571 = arith.constant 32 : index
      %get3A_572 = tpu.vector_load %arg10[%get3A_569, %get3A_570, %get3A_571] {strides = array<i32>} : memref<2x128x128xf32, #tpu.memory_space<vmem>>, vector<1x1x16xf32>,
      %get3A_573 = vector.shape_cast %get3A_572 : vector<1x1x16xf32> to vector<16xf32>
      %mul3A_574 = arith.mulf %get3A_567, %get3A_573 : vector<16xf32>
      %get3A_575 = arith.constant 1 : i32
      %get3A_576 = arith.index_cast %get3A_575 : i32 to index
      %get3A_577 = arith.index_cast %scan3A_508 : i32 to index
      %get3A_578 = arith.constant 32 : index
      %get3A_579 = tpu.vector_load %arg9[%get3A_576, %get3A_577, %get3A_578] {strides = array<i32>} : memref<2x128x128xf32, #tpu.memory_space<vmem>>, vector<1x1x16xf32>,
      %get3A_580 = vector.shape_cast %get3A_579 : vector<1x1x16xf32> to vector<16xf32>
      %add3A_581 = arith.addf %mul3A_574, %get3A_580 : vector<16xf32>
      %swap3A_582 = arith.constant 1 : i32
      %swap3A_583 = arith.index_cast %swap3A_582 : i32 to index
      %swap3A_584 = arith.index_cast %scan3A_508 : i32 to index
      %swap3A_585 = arith.constant 32 : index
      %swap3A_586 = tpu.vector_load %arg10[%swap3A_583, %swap3A_584, %swap3A_585] {strides = array<i32>} : memref<2x128x128xf32, #tpu.memory_space<vmem>>, vector<1x1x16xf32>,
      %swap3A_587 = vector.shape_cast %swap3A_586 : vector<1x1x16xf32> to vector<16xf32>
      %swap3A_588 = vector.shape_cast %add3A_581 : vector<16xf32> to vector<1x1x16xf32>
      tpu.vector_store %arg10[%swap3A_583, %swap3A_584, %swap3A_585], %swap3A_588 {strides = array<i32>} : memref<2x128x128xf32, #tpu.memory_space<vmem>>, vector<1x1x16xf32>,
      %get3A_589 = arith.constant 1 : i32
      %get3A_590 = arith.index_cast %get3A_589 : i32 to index
      %get3A_591 = arith.index_cast %scan3A_508 : i32 to index
      %get3A_592 = arith.constant 48 : index
      %get3A_593 = tpu.vector_load %arg8[%get3A_590, %get3A_591, %get3A_592] {strides = array<i32>} : memref<2x128x128xf32, #tpu.memory_space<vmem>>, vector<1x1x16xf32>,
      %get3A_594 = vector.shape_cast %get3A_593 : vector<1x1x16xf32> to vector<16xf32>
      %get3A_595 = arith.constant 1 : i32
      %get3A_596 = arith.index_cast %get3A_595 : i32 to index
      %get3A_597 = arith.index_cast %scan3A_508 : i32 to index
      %get3A_598 = arith.constant 48 : index
      %get3A_599 = tpu.vector_load %arg10[%get3A_596, %get3A_597, %get3A_598] {strides = array<i32>} : memref<2x128x128xf32, #tpu.memory_space<vmem>>, vector<1x1x16xf32>,
      %get3A_600 = vector.shape_cast %get3A_599 : vector<1x1x16xf32> to vector<16xf32>
      %mul3A_601 = arith.mulf %get3A_594, %get3A_600 : vector<16xf32>
      %get3A_602 = arith.constant 1 : i32
      %get3A_603 = arith.index_cast %get3A_602 : i32 to index
      %get3A_604 = arith.index_cast %scan3A_508 : i32 to index
      %get3A_605 = arith.constant 48 : index
      %get3A_606 = tpu.vector_load %arg9[%get3A_603, %get3A_604, %get3A_605] {strides = array<i32>} : memref<2x128x128xf32, #tpu.memory_space<vmem>>, vector<1x1x16xf32>,
      %get3A_607 = vector.shape_cast %get3A_606 : vector<1x1x16xf32> to vector<16xf32>
      %add3A_608 = arith.addf %mul3A_601, %get3A_607 : vector<16xf32>
      %swap3A_609 = arith.constant 1 : i32
      %swap3A_610 = arith.index_cast %swap3A_609 : i32 to index
      %swap3A_611 = arith.index_cast %scan3A_508 : i32 to index
      %swap3A_612 = arith.constant 48 : index
      %swap3A_613 = tpu.vector_load %arg10[%swap3A_610, %swap3A_611, %swap3A_612] {strides = array<i32>} : memref<2x128x128xf32, #tpu.memory_space<vmem>>, vector<1x1x16xf32>,
      %swap3A_614 = vector.shape_cast %swap3A_613 : vector<1x1x16xf32> to vector<16xf32>
      %swap3A_615 = vector.shape_cast %add3A_608 : vector<16xf32> to vector<1x1x16xf32>
      tpu.vector_store %arg10[%swap3A_610, %swap3A_611, %swap3A_612], %swap3A_615 {strides = array<i32>} : memref<2x128x128xf32, #tpu.memory_space<vmem>>, vector<1x1x16xf32>,
      %get3A_616 = arith.constant 1 : i32
      %get3A_617 = arith.index_cast %get3A_616 : i32 to index
      %get3A_618 = arith.index_cast %scan3A_508 : i32 to index
      %get3A_619 = arith.constant 64 : index
      %get3A_620 = tpu.vector_load %arg8[%get3A_617, %get3A_618, %get3A_619] {strides = array<i32>} : memref<2x128x128xf32, #tpu.memory_space<vmem>>, vector<1x1x16xf32>,
      %get3A_621 = vector.shape_cast %get3A_620 : vector<1x1x16xf32> to vector<16xf32>
      %get3A_622 = arith.constant 1 : i32
      %get3A_623 = arith.index_cast %get3A_622 : i32 to index
      %get3A_624 = arith.index_cast %scan3A_508 : i32 to index
      %get3A_625 = arith.constant 64 : index
      %get3A_626 = tpu.vector_load %arg10[%get3A_623, %get3A_624, %get3A_625] {strides = array<i32>} : memref<2x128x128xf32, #tpu.memory_space<vmem>>, vector<1x1x16xf32>,
      %get3A_627 = vector.shape_cast %get3A_626 : vector<1x1x16xf32> to vector<16xf32>
      %mul3A_628 = arith.mulf %get3A_621, %get3A_627 : vector<16xf32>
      %get3A_629 = arith.constant 1 : i32
      %get3A_630 = arith.index_cast %get3A_629 : i32 to index
      %get3A_631 = arith.index_cast %scan3A_508 : i32 to index
      %get3A_632 = arith.constant 64 : index
      %get3A_633 = tpu.vector_load %arg9[%get3A_630, %get3A_631, %get3A_632] {strides = array<i32>} : memref<2x128x128xf32, #tpu.memory_space<vmem>>, vector<1x1x16xf32>,
      %get3A_634 = vector.shape_cast %get3A_633 : vector<1x1x16xf32> to vector<16xf32>
      %add3A_635 = arith.addf %mul3A_628, %get3A_634 : vector<16xf32>
      %swap3A_636 = arith.constant 1 : i32
      %swap3A_637 = arith.index_cast %swap3A_636 : i32 to index
      %swap3A_638 = arith.index_cast %scan3A_508 : i32 to index
      %swap3A_639 = arith.constant 64 : index
      %swap3A_640 = tpu.vector_load %arg10[%swap3A_637, %swap3A_638, %swap3A_639] {strides = array<i32>} : memref<2x128x128xf32, #tpu.memory_space<vmem>>, vector<1x1x16xf32>,
      %swap3A_641 = vector.shape_cast %swap3A_640 : vector<1x1x16xf32> to vector<16xf32>
      %swap3A_642 = vector.shape_cast %add3A_635 : vector<16xf32> to vector<1x1x16xf32>
      tpu.vector_store %arg10[%swap3A_637, %swap3A_638, %swap3A_639], %swap3A_642 {strides = array<i32>} : memref<2x128x128xf32, #tpu.memory_space<vmem>>, vector<1x1x16xf32>,
      %get3A_643 = arith.constant 1 : i32
      %get3A_644 = arith.index_cast %get3A_643 : i32 to index
      %get3A_645 = arith.index_cast %scan3A_508 : i32 to index
      %get3A_646 = arith.constant 80 : index
      %get3A_647 = tpu.vector_load %arg8[%get3A_644, %get3A_645, %get3A_646] {strides = array<i32>} : memref<2x128x128xf32, #tpu.memory_space<vmem>>, vector<1x1x16xf32>,
      %get3A_648 = vector.shape_cast %get3A_647 : vector<1x1x16xf32> to vector<16xf32>
      %get3A_649 = arith.constant 1 : i32
      %get3A_650 = arith.index_cast %get3A_649 : i32 to index
      %get3A_651 = arith.index_cast %scan3A_508 : i32 to index
      %get3A_652 = arith.constant 80 : index
      %get3A_653 = tpu.vector_load %arg10[%get3A_650, %get3A_651, %get3A_652] {strides = array<i32>} : memref<2x128x128xf32, #tpu.memory_space<vmem>>, vector<1x1x16xf32>,
      %get3A_654 = vector.shape_cast %get3A_653 : vector<1x1x16xf32> to vector<16xf32>
      %mul3A_655 = arith.mulf %get3A_648, %get3A_654 : vector<16xf32>
      %get3A_656 = arith.constant 1 : i32
      %get3A_657 = arith.index_cast %get3A_656 : i32 to index
      %get3A_658 = arith.index_cast %scan3A_508 : i32 to index
      %get3A_659 = arith.constant 80 : index
      %get3A_660 = tpu.vector_load %arg9[%get3A_657, %get3A_658, %get3A_659] {strides = array<i32>} : memref<2x128x128xf32, #tpu.memory_space<vmem>>, vector<1x1x16xf32>,
      %get3A_661 = vector.shape_cast %get3A_660 : vector<1x1x16xf32> to vector<16xf32>
      %add3A_662 = arith.addf %mul3A_655, %get3A_661 : vector<16xf32>
      %swap3A_663 = arith.constant 1 : i32
      %swap3A_664 = arith.index_cast %swap3A_663 : i32 to index
      %swap3A_665 = arith.index_cast %scan3A_508 : i32 to index
      %swap3A_666 = arith.constant 80 : index
      %swap3A_667 = tpu.vector_load %arg10[%swap3A_664, %swap3A_665, %swap3A_666] {strides = array<i32>} : memref<2x128x128xf32, #tpu.memory_space<vmem>>, vector<1x1x16xf32>,
      %swap3A_668 = vector.shape_cast %swap3A_667 : vector<1x1x16xf32> to vector<16xf32>
      %swap3A_669 = vector.shape_cast %add3A_662 : vector<16xf32> to vector<1x1x16xf32>
      tpu.vector_store %arg10[%swap3A_664, %swap3A_665, %swap3A_666], %swap3A_669 {strides = array<i32>} : memref<2x128x128xf32, #tpu.memory_space<vmem>>, vector<1x1x16xf32>,
      %get3A_670 = arith.constant 1 : i32
      %get3A_671 = arith.index_cast %get3A_670 : i32 to index
      %get3A_672 = arith.index_cast %scan3A_508 : i32 to index
      %get3A_673 = arith.constant 96 : index
      %get3A_674 = tpu.vector_load %arg8[%get3A_671, %get3A_672, %get3A_673] {strides = array<i32>} : memref<2x128x128xf32, #tpu.memory_space<vmem>>, vector<1x1x16xf32>,
      %get3A_675 = vector.shape_cast %get3A_674 : vector<1x1x16xf32> to vector<16xf32>
      %get3A_676 = arith.constant 1 : i32
      %get3A_677 = arith.index_cast %get3A_676 : i32 to index
      %get3A_678 = arith.index_cast %scan3A_508 : i32 to index
      %get3A_679 = arith.constant 96 : index
      %get3A_680 = tpu.vector_load %arg10[%get3A_677, %get3A_678, %get3A_679] {strides = array<i32>} : memref<2x128x128xf32, #tpu.memory_space<vmem>>, vector<1x1x16xf32>,
      %get3A_681 = vector.shape_cast %get3A_680 : vector<1x1x16xf32> to vector<16xf32>
      %mul3A_682 = arith.mulf %get3A_675, %get3A_681 : vector<16xf32>
      %get3A_683 = arith.constant 1 : i32
      %get3A_684 = arith.index_cast %get3A_683 : i32 to index
      %get3A_685 = arith.index_cast %scan3A_508 : i32 to index
      %get3A_686 = arith.constant 96 : index
      %get3A_687 = tpu.vector_load %arg9[%get3A_684, %get3A_685, %get3A_686] {strides = array<i32>} : memref<2x128x128xf32, #tpu.memory_space<vmem>>, vector<1x1x16xf32>,
      %get3A_688 = vector.shape_cast %get3A_687 : vector<1x1x16xf32> to vector<16xf32>
      %add3A_689 = arith.addf %mul3A_682, %get3A_688 : vector<16xf32>
      %swap3A_690 = arith.constant 1 : i32
      %swap3A_691 = arith.index_cast %swap3A_690 : i32 to index
      %swap3A_692 = arith.index_cast %scan3A_508 : i32 to index
      %swap3A_693 = arith.constant 96 : index
      %swap3A_694 = tpu.vector_load %arg10[%swap3A_691, %swap3A_692, %swap3A_693] {strides = array<i32>} : memref<2x128x128xf32, #tpu.memory_space<vmem>>, vector<1x1x16xf32>,
      %swap3A_695 = vector.shape_cast %swap3A_694 : vector<1x1x16xf32> to vector<16xf32>
      %swap3A_696 = vector.shape_cast %add3A_689 : vector<16xf32> to vector<1x1x16xf32>
      tpu.vector_store %arg10[%swap3A_691, %swap3A_692, %swap3A_693], %swap3A_696 {strides = array<i32>} : memref<2x128x128xf32, #tpu.memory_space<vmem>>, vector<1x1x16xf32>,
      %get3A_697 = arith.constant 1 : i32
      %get3A_698 = arith.index_cast %get3A_697 : i32 to index
      %get3A_699 = arith.index_cast %scan3A_508 : i32 to index
      %get3A_700 = arith.constant 112 : index
      %get3A_701 = tpu.vector_load %arg8[%get3A_698, %get3A_699, %get3A_700] {strides = array<i32>} : memref<2x128x128xf32, #tpu.memory_space<vmem>>, vector<1x1x16xf32>,
      %get3A_702 = vector.shape_cast %get3A_701 : vector<1x1x16xf32> to vector<16xf32>
      %get3A_703 = arith.constant 1 : i32
      %get3A_704 = arith.index_cast %get3A_703 : i32 to index
      %get3A_705 = arith.index_cast %scan3A_508 : i32 to index
      %get3A_706 = arith.constant 112 : index
      %get3A_707 = tpu.vector_load %arg10[%get3A_704, %get3A_705, %get3A_706] {strides = array<i32>} : memref<2x128x128xf32, #tpu.memory_space<vmem>>, vector<1x1x16xf32>,
      %get3A_708 = vector.shape_cast %get3A_707 : vector<1x1x16xf32> to vector<16xf32>
      %mul3A_709 = arith.mulf %get3A_702, %get3A_708 : vector<16xf32>
      %get3A_710 = arith.constant 1 : i32
      %get3A_711 = arith.index_cast %get3A_710 : i32 to index
      %get3A_712 = arith.index_cast %scan3A_508 : i32 to index
      %get3A_713 = arith.constant 112 : index
      %get3A_714 = tpu.vector_load %arg9[%get3A_711, %get3A_712, %get3A_713] {strides = array<i32>} : memref<2x128x128xf32, #tpu.memory_space<vmem>>, vector<1x1x16xf32>,
      %get3A_715 = vector.shape_cast %get3A_714 : vector<1x1x16xf32> to vector<16xf32>
      %add3A_716 = arith.addf %mul3A_709, %get3A_715 : vector<16xf32>
      %swap3A_717 = arith.constant 1 : i32
      %swap3A_718 = arith.index_cast %swap3A_717 : i32 to index
      %swap3A_719 = arith.index_cast %scan3A_508 : i32 to index
      %swap3A_720 = arith.constant 112 : index
      %swap3A_721 = tpu.vector_load %arg10[%swap3A_718, %swap3A_719, %swap3A_720] {strides = array<i32>} : memref<2x128x128xf32, #tpu.memory_space<vmem>>, vector<1x1x16xf32>,
      %swap3A_722 = vector.shape_cast %swap3A_721 : vector<1x1x16xf32> to vector<16xf32>
      %swap3A_723 = vector.shape_cast %add3A_716 : vector<16xf32> to vector<1x1x16xf32>
      tpu.vector_store %arg10[%swap3A_718, %swap3A_719, %swap3A_720], %swap3A_723 {strides = array<i32>} : memref<2x128x128xf32, #tpu.memory_space<vmem>>, vector<1x1x16xf32>,
      %scan3A_724 = arith.constant 0 : i32
      scf.yield %scan3A_724 : i32
    }
    %scan3A_457 = arith.constant 128 : i32
    %add3A_458 = arith.constant 384 : i32
    %add3A_459 = arith.addi %mul3A_2, %add3A_458 : i32
    %dma_start3A_460 = arith.constant 1 : i32
    %dma_start3A_461 = arith.constant 1 : i32
    %dma_start3A_462 = arith.constant 0 : i32
    %dma_start3A_463 = arith.constant 0 : i32
    %dma_start3A_464 = tpu.memref_slice %arg10[%dma_start3A_460, %dma_start3A_462, %dma_start3A_463] : memref<2x128x128xf32, #tpu.memory_space<vmem>> -> memref<1x128x128xf32, #tpu.memory_space<vmem>>
    %dma_start3A_465 = tpu.memref_squeeze %dma_start3A_464 : memref<1x128x128xf32, #tpu.memory_space<vmem>> -> memref<128x128xf32, #tpu.memory_space<vmem>>
    %dma_start3A_466 = arith.constant 0 : i32
    %dma_start3A_467 = tpu.memref_slice %arg6[%add3A_459, %dma_start3A_466] : memref<16384x128xf32, #tpu.memory_space<hbm>> -> memref<128x128xf32, #tpu.memory_space<hbm>>
    %dma_start3A_468 = tpu.memref_slice %arg14[%dma_start3A_461] : memref<2x!tpu.dma_semaphore, #tpu.memory_space<semaphore_mem>> -> memref<1x!tpu.dma_semaphore, #tpu.memory_space<semaphore_mem>>
    %dma_start3A_469 = tpu.memref_squeeze %dma_start3A_468 : memref<1x!tpu.dma_semaphore, #tpu.memory_space<semaphore_mem>> -> memref<!tpu.dma_semaphore, #tpu.memory_space<semaphore_mem>>
    %dma_start3A_470 = arith.constant 0 : i32
    %dma_start3A_471 = tpu.memref_slice %arg6[%add3A_459, %dma_start3A_470] : memref<16384x128xf32, #tpu.memory_space<hbm>> -> memref<128x128xf32, #tpu.memory_space<hbm>>
    %dma_start3A_472 = arith.constant 0 : i32
    %dma_start3A_473 = arith.constant 0 : i32
    %dma_start3A_474 = tpu.memref_slice %arg10[%dma_start3A_460, %dma_start3A_472, %dma_start3A_473] : memref<2x128x128xf32, #tpu.memory_space<vmem>> -> memref<1x128x128xf32, #tpu.memory_space<vmem>>
    %dma_start3A_475 = tpu.memref_squeeze %dma_start3A_474 : memref<1x128x128xf32, #tpu.memory_space<vmem>> -> memref<128x128xf32, #tpu.memory_space<vmem>>
    tpu.enqueue_dma source(%dma_start3A_475 : memref<128x128xf32, #tpu.memory_space<vmem>>) target(%dma_start3A_471 : memref<128x128xf32, #tpu.memory_space<hbm>>) target_semaphore(%dma_start3A_469 : memref<!tpu.dma_semaphore, #tpu.memory_space<semaphore_mem>>)
    %dma_wait3A_476 = arith.constant 0 : i32
    %dma_wait3A_477 = arith.constant 0 : i32
    %dma_wait3A_478 = arith.constant 0 : i32
    %dma_wait3A_479 = arith.constant 0 : i32
    %dma_wait3A_480 = tpu.memref_slice %arg10[%dma_wait3A_476, %dma_wait3A_478, %dma_wait3A_479] : memref<2x128x128xf32, #tpu.memory_space<vmem>> -> memref<1x128x128xf32, #tpu.memory_space<vmem>>
    %dma_wait3A_481 = tpu.memref_squeeze %dma_wait3A_480 : memref<1x128x128xf32, #tpu.memory_space<vmem>> -> memref<128x128xf32, #tpu.memory_space<vmem>>
    %dma_wait3A_482 = arith.constant 0 : i32
    %dma_wait3A_483 = tpu.memref_slice %arg6[%add3A_392, %dma_wait3A_482] : memref<16384x128xf32, #tpu.memory_space<hbm>> -> memref<128x128xf32, #tpu.memory_space<hbm>>
    %dma_wait3A_484 = tpu.memref_slice %arg14[%dma_wait3A_477] : memref<2x!tpu.dma_semaphore, #tpu.memory_space<semaphore_mem>> -> memref<1x!tpu.dma_semaphore, #tpu.memory_space<semaphore_mem>>
    %dma_wait3A_485 = tpu.memref_squeeze %dma_wait3A_484 : memref<1x!tpu.dma_semaphore, #tpu.memory_space<semaphore_mem>> -> memref<!tpu.dma_semaphore, #tpu.memory_space<semaphore_mem>>
    %dma_wait3A_486 = arith.constant 0 : i32
    %dma_wait3A_487 = tpu.memref_slice %arg6[%add3A_392, %dma_wait3A_486] : memref<16384x128xf32, #tpu.memory_space<hbm>> -> memref<128x128xf32, #tpu.memory_space<hbm>>
    %dma_wait3A_488 = arith.constant 0 : i32
    %dma_wait3A_489 = arith.constant 0 : i32
    %dma_wait3A_490 = tpu.memref_slice %arg10[%dma_wait3A_476, %dma_wait3A_488, %dma_wait3A_489] : memref<2x128x128xf32, #tpu.memory_space<vmem>> -> memref<1x128x128xf32, #tpu.memory_space<vmem>>
    %dma_wait3A_491 = tpu.memref_squeeze %dma_wait3A_490 : memref<1x128x128xf32, #tpu.memory_space<vmem>> -> memref<128x128xf32, #tpu.memory_space<vmem>>
    tpu.wait_dma2 semaphore(%dma_wait3A_485 : memref<!tpu.dma_semaphore, #tpu.memory_space<semaphore_mem>>) src(%dma_wait3A_491 : memref<128x128xf32, #tpu.memory_space<vmem>>) dst(%dma_wait3A_487 : memref<128x128xf32, #tpu.memory_space<hbm>>)
    %dma_wait3A_492 = arith.constant 1 : i32
    %dma_wait3A_493 = arith.constant 1 : i32
    %dma_wait3A_494 = arith.constant 0 : i32
    %dma_wait3A_495 = arith.constant 0 : i32
    %dma_wait3A_496 = tpu.memref_slice %arg10[%dma_wait3A_492, %dma_wait3A_494, %dma_wait3A_495] : memref<2x128x128xf32, #tpu.memory_space<vmem>> -> memref<1x128x128xf32, #tpu.memory_space<vmem>>
    %dma_wait3A_497 = tpu.memref_squeeze %dma_wait3A_496 : memref<1x128x128xf32, #tpu.memory_space<vmem>> -> memref<128x128xf32, #tpu.memory_space<vmem>>
    %dma_wait3A_498 = arith.constant 0 : i32
    %dma_wait3A_499 = tpu.memref_slice %arg6[%add3A_459, %dma_wait3A_498] : memref<16384x128xf32, #tpu.memory_space<hbm>> -> memref<128x128xf32, #tpu.memory_space<hbm>>
    %dma_wait3A_500 = tpu.memref_slice %arg14[%dma_wait3A_493] : memref<2x!tpu.dma_semaphore, #tpu.memory_space<semaphore_mem>> -> memref<1x!tpu.dma_semaphore, #tpu.memory_space<semaphore_mem>>
    %dma_wait3A_501 = tpu.memref_squeeze %dma_wait3A_500 : memref<1x!tpu.dma_semaphore, #tpu.memory_space<semaphore_mem>> -> memref<!tpu.dma_semaphore, #tpu.memory_space<semaphore_mem>>
    %dma_wait3A_502 = arith.constant 0 : i32
    %dma_wait3A_503 = tpu.memref_slice %arg6[%add3A_459, %dma_wait3A_502] : memref<16384x128xf32, #tpu.memory_space<hbm>> -> memref<128x128xf32, #tpu.memory_space<hbm>>
    %dma_wait3A_504 = arith.constant 0 : i32
    %dma_wait3A_505 = arith.constant 0 : i32
    %dma_wait3A_506 = tpu.memref_slice %arg10[%dma_wait3A_492, %dma_wait3A_504, %dma_wait3A_505] : memref<2x128x128xf32, #tpu.memory_space<vmem>> -> memref<1x128x128xf32, #tpu.memory_space<vmem>>
    %dma_wait3A_507 = tpu.memref_squeeze %dma_wait3A_506 : memref<1x128x128xf32, #tpu.memory_space<vmem>> -> memref<128x128xf32, #tpu.memory_space<vmem>>
    tpu.wait_dma2 semaphore(%dma_wait3A_501 : memref<!tpu.dma_semaphore, #tpu.memory_space<semaphore_mem>>) src(%dma_wait3A_507 : memref<128x128xf32, #tpu.memory_space<vmem>>) dst(%dma_wait3A_503 : memref<128x128xf32, #tpu.memory_space<hbm>>)
    return
  }
}

</mosaic_0001>

<sc_bundles>
// kernel: _film.3.cloned.1.call-start
scs
__scs_entry_jumppad:
0x0: {  	(pc) =	sbr.rel $0x88, $3  }
0x1: {  	(tag) =	ssettag $0x0;
	lr =	simm.s32 $0x1  }
0x2: {  	[smem:$0x3F9D] =	sst lr;
	_ =	strace $0xD0000000  }
0x3: {  	_ = 	snop  }
0x4: {  	_ = 	snop  }
0x5: {  	_ = 	snop  }
0x6: {  	_ = 	snop  }
0x7: {  	_ = 	snop  }
__scs_overlays_trampoline_lowered:
0x8: {  	[smem:$0x3FAC] =	sst s0  }
0x9: {  	[smem:$0x3FAD] =	sst s1  }
0xa: {  	[smem:$0x3FAE] =	sst s2  }
0xb: {  	[smem:$0x3FAF] =	sst s3  }
0xc: {  	[smem:$0x3FB0] =	sst s4  }
0xd: {  	[smem:$0x3FB1] =	sst s5  }
0xe: {  	[smem:$0x3FB2] =	sst s6  }
0xf: {  	[smem:$0x3FB3] =	sst s7  }
0x10: {  	[smem:$0x3FB4] =	sst s8  }
0x11: {  	[smem:$0x3FB5] =	sst s9;
	s0 =	simm.s32 @!p0 $0x0  }
0x12: {  	s1 =	sld [smem:$0x3F9B];
	s0 =	simm.s32 @p0 $0x1  }
0x13: {  	[smem:$0x3FB6] =	sst s0;
	s0 =	simm.s32 @!p1 $0x0  }
0x14: {  	s2 =	sld [smem:$0x3F9A];
	s0 =	simm.s32 @p1 $0x1  }
0x15: {  	[smem:$0x3FB7] =	sst s0;
	s0 =	simm.s32 @!p2 $0x0  }
0x16: {  	s3 =	sld [smem:$0x3FDB];
	s0 =	simm.s32 @p2 $0x1  }
0x17: {  	s4 =	simm.s32 $0x1BF5;
	[smem:$0x3FB9] =	sst s0  }
0x18: {  	s0 =	sld [smem:$0x3F9C];
	_ =	swait.ge [sflag:s4], $0x0  }
0x19: {  	s7 =	sld [smem:$0x3F9D]  }
0x1a: {  	s8 =	sadd.s32 $0xFFFFE003, lr  }
0x1b: {  	s9 =	sadd.s32 $0xFFFFFEF7, lr;
	s5 =	simm.s32 $0xFFFFFFFF;
	p2 =	slt.u32 s8, $0xFFFFF086  }
0x1c: {  	p1 =	slt.u32 s9, $0xF7A;
	s5 =	simm.s32 @!p2 $0x0  }
0x1d: {  	s5 =	simm.s32 @p1 $0x1;
	p0 =	seq.s32 s7, s2  }
0x1e: {  	s7 =	smul.u32 @!p0 $0xF7A, s2;
	p2 =	seq.s32 @!p0 s5, $0x0  }
0x1f: {  	s9 =	smul.u32 $0xF7A, s1;
	s8 =	simm.s32 @!p0 $0x1BF5;
	p2 =	por !p2, p0  }
0x20: {  	[sflag:s8] =	ssyncset.s32 @!p0 $0xFFFFF086;
	s6 =	sadd.s32 @!p0 s3, s7;
	s7 =	simm.s32 @!p0 $0x108  }
0x21: {  	s3 =	sadd.s32 s3, s9;
	s6 =	sadd.s32 @!p0 $0x88, s6;
	s7 =	simm.s32 @p2 $0x1082  }
0x22: {  	[simem:s7], [sflag:s8] =	dma.local @!p0 [hbm:s6], $0xF7A  }
0x23: {  	s9 =	sor.u32 $0xD0000000, s2;
	s6 =	simm.s32 $0x108;
	_ =	swait.ge @!p0 [sflag:s8], $0x0  }
0x24: {  	s3 =	sadd.s32 $0x88, s3;
	s6 =	simm.s32 @!p1 $0x1082;
	[sflag:s4] =	ssyncset.s32 $0xFFFFF086  }
0x25: {  	[simem:s6], [sflag:s4] =	dma.local [hbm:s3], $0xF7A  }
0x26: {  	[smem:$0x3F9D] =	sst s1;
	(tag) =	ssettag s2;
	_ =	strace s9  }
0x27: {  	s1 =	sld [smem:$0x3FAD]  }
0x28: {  	s2 =	sld [smem:$0x3FAE]  }
0x29: {  	s4 =	sld [smem:$0x3FB0]  }
0x2a: {  	p0 =	seq.s32 s5, $0x0;
	s5 =	sld [smem:$0x3FB1]  }
0x2b: {  	s6 =	sld [smem:$0x3FB2]  }
0x2c: {  	s7 =	sld [smem:$0x3FB3]  }
0x2d: {  	s3 =	simm.s32 $0x108;
	s8 =	sld [smem:$0x3FB4]  }
0x2e: {  	s3 =	simm.s32 @!p0 $0x1082;
	s9 =	sld [smem:$0x3FB5]  }
0x2f: {  	lr =	sadd.s32 s0, s3;
	s0 =	sld [smem:$0x3FAC]  }
0x30: {  	s3 =	sld [smem:$0x3FAF]  }
0x31: {  	[smem:$0x3FB8] =	sst s10  }
0x32: {  	s10 =	sld [smem:$0x3FB6];
	_ =	sdelay $0x3  }
0x33: {  	p0 =	seq.s32 s10, $0x1;
	s10 =	sld [smem:$0x3FB8];
	_ =	sdelay $0x3  }
0x34: {  	[smem:$0x3FB8] =	sst s10  }
0x35: {  	s10 =	sld [smem:$0x3FB7];
	_ =	sdelay $0x3  }
0x36: {  	p1 =	seq.s32 s10, $0x1;
	s10 =	sld [smem:$0x3FB8];
	_ =	sdelay $0x3  }
0x37: {  	[smem:$0x3FB8] =	sst s10  }
0x38: {  	s10 =	sld [smem:$0x3FB9]  }
0x39: {  	_ = 	snop;
	(pc) =	sbr.ind lr, $3  }
0x3a: {  	_ = 	snop  }
0x3b: {  	_ = 	snop  }
0x3c: {  	p2 =	seq.s32 s10, $0x1;
	s10 =	sld [smem:$0x3FB8]  }
0x3d: {  	_ =	shalt  }
0x3e: {  	_ =	shalt  }
0x3f: {  	_ =	shalt  }
0x40: {  	_ =	shalt  }
0x41: {  	_ =	shalt  }
0x42: {  	_ =	shalt  }
0x43: {  	_ =	shalt  }
0x44: {  	_ =	shalt  }
0x45: {  	_ =	shalt  }
0x46: {  	_ =	shalt  }
0x47: {  	_ =	shalt  }
0x48: {  	_ =	shalt  }
0x49: {  	_ =	shalt  }
0x4a: {  	_ =	shalt  }
0x4b: {  	_ =	shalt  }
0x4c: {  	_ =	shalt  }
0x4d: {  	_ =	shalt  }
0x4e: {  	_ =	shalt  }
0x4f: {  	_ =	shalt  }
0x50: {  	_ =	shalt  }
0x51: {  	_ =	shalt  }
0x52: {  	_ =	shalt  }
0x53: {  	_ =	shalt  }
0x54: {  	_ =	shalt  }
0x55: {  	_ =	shalt  }
0x56: {  	_ =	shalt  }
0x57: {  	_ =	shalt  }
0x58: {  	_ =	shalt  }
0x59: {  	_ =	shalt  }
0x5a: {  	_ =	shalt  }
0x5b: {  	_ =	shalt  }
0x5c: {  	_ =	shalt  }
0x5d: {  	_ =	shalt  }
0x5e: {  	_ =	shalt  }
0x5f: {  	_ =	shalt  }
0x60: {  	_ =	shalt  }
0x61: {  	_ =	shalt  }
0x62: {  	_ =	shalt  }
0x63: {  	_ =	shalt  }
0x64: {  	_ =	shalt  }
0x65: {  	_ =	shalt  }
0x66: {  	_ =	shalt  }
0x67: {  	_ =	shalt  }
0x68: {  	_ =	shalt  }
0x69: {  	_ =	shalt  }
0x6a: {  	_ =	shalt  }
0x6b: {  	_ =	shalt  }
0x6c: {  	_ =	shalt  }
0x6d: {  	_ =	shalt  }
0x6e: {  	_ =	shalt  }
0x6f: {  	_ =	shalt  }
0x70: {  	_ =	shalt  }
0x71: {  	_ =	shalt  }
0x72: {  	_ =	shalt  }
0x73: {  	_ =	shalt  }
0x74: {  	_ =	shalt  }
0x75: {  	_ =	shalt  }
0x76: {  	_ =	shalt  }
0x77: {  	_ =	shalt  }
0x78: {  	_ =	shalt  }
0x79: {  	_ =	shalt  }
0x7a: {  	_ =	shalt  }
0x7b: {  	_ =	shalt  }
0x7c: {  	_ =	shalt  }
0x7d: {  	_ =	shalt  }
0x7e: {  	_ =	shalt  }
0x7f: {  	_ =	shalt  }
0x80: {  	_ =	shalt  }
0x81: {  	_ =	shalt  }
0x82: {  	_ =	shalt  }
0x83: {  	_ =	shalt  }
0x84: {  	_ =	shalt  }
0x85: {  	_ =	shalt  }
0x86: {  	_ =	shalt  }
0x87: {  	_ =	shalt  }
.Lfunc_end0:
.L_simem_size_0:
called_computation_lowered:
.L_overlay_start_0:
0x88: {  	s2 =	sld [smem:$0x3FD9]  }
0x89: {  	s3 =	sld [smem:$0x3FFE];
	_ =	sdelay $0x1  }
0x8a: {  	s1 =	srdreg.scid  }
0x8b: {  	s0 =	sand.u32 $0x1, s1  }
0x8c: {  	s18 =	sshll.u32 s0, $0xA;
	s2 =	sadd.s32 s3, s2  }
0x8d: {  	s2 =	sadd.s32 s2, s18  }
0x8e: {  	[smem:$0x3FC4] =	sst s2  }
0x8f: {  	_ = 	snop  }
0x90: {  	s2 =	sld [smem:$0x3FC9]  }
0x91: {  	s19 =	sld [smem:$0x3FC8]  }
0x92: {  	s4 =	sld [smem:$0x3FC7]  }
0x93: {  	s5 =	sld [smem:$0x3FC6]  }
0x94: {  	s6 =	sld [smem:$0x3FD0];
	(tm) =	ssettm $0x1  }
0x95: {  	s7 =	sld [smem:$0x3FFB];
	_ =	sdelay $0x3  }
0x96: {  	_ =	strace s7  }
0x97: {  	s7 =	sld [smem:$0x3FFC];
	_ =	sdelay $0x3  }
0x98: {  	_ =	strace s7  }
0x99: {  	s7 =	sld [smem:$0x3FFD];
	_ =	sdelay $0x3  }
0x9a: {  	_ =	strace s7  }
0x9b: {  	_ =	strace $0x8FFFFFFF  }
0x9c: {  	s20 =	sld [smem:$0x3FDB];
	_ =	sdelay $0x1  }
0x9d: {  	s8 =	simm.s32 $_scs_section_size  }
0x9e: {  	s9 =	simm.s32 $_size__tile_overlayer_lowered;
	s10 =	simm.s32 $_tile_overlayer_lowered  }
0x9f: {  	s23 =	simm.s32 $0x1BFF;
	s22 =	sshll.u32 s10, $0x1;
	s7 =	sadd.s32 s8, s20  }
0xa0: {  	s11 =	simm.s32 $0x0;
	s21 =	sshll.u32 s9, $0x1;
	s9 =	sadd.s32 s22, s7  }
0xa1: {  	[timem:s11], [sflag:s23] =	dma.local [hbm:s9], s21  }
0xa2: {  	_ =	swait.ge [sflag:s23], s21  }
0xa3: {  	s8 =	ssub.s32 $0x0, s21;
	[sflag:s23] =	ssyncset.done $0x0  }
0xa4: {  	[sflag:s23] =	ssyncadd.s32 s8;
	_ =	sdelay $0x1  }
0xa5: {  	s24 =	simm.s32 $0x1B8B  }
0xa6: {  	_ =	swait.ge [sflag:s24], $0x1  }
0xa7: {  	[sflag:s24] =	ssyncset.done $0x0  }
0xa8: {  	s25 =	simm.s32 $0x1B8E;
	[sflag:s24] =	ssyncadd.s32 $0xFFFFFFFF  }
0xa9: {  	s26 =	simm.s32 $execute0_lowered;
	[smem:$0x3FD2] =	sst s25  }
0xaa: {  	s8 =	sshll.u32 s26, $0x1;
	_ =	strace $0x80000046;
	[dreg:$0x1] =	wrdreg $0xFFFFFFFF  }
0xab: {  	s28 =	simm.s32 $_size_execute0_lowered;
	s7 =	sadd.s32 s7, s8;
	[dreg:$0x0] =	wrdreg $0x0  }
0xac: {  	s8 =	sshll.u32 s28, $0x1;
	[dreg:$0x2] =	wrdreg s7  }
0xad: {  	[dreg:$0x3] =	wrdreg s8  }
0xae: {  	[dreg:$0x4] =	wrdreg $0xC0  }
0xaf: {  	_ =	task [dreg:s11], $0x5FFFF  }
0xb0: {  	[dreg:$0x1] =	wrdreg $0xFFFFFFFF  }
0xb1: {  	[dreg:$0x0] =	wrdreg $0x60  }
0xb2: {  	[dreg:$0x2] =	wrdreg s2  }
0xb3: {  	[dreg:$0x3] =	wrdreg s19  }
0xb4: {  	[dreg:$0x4] =	wrdreg s4  }
0xb5: {  	[dreg:$0x5] =	wrdreg s5  }
0xb6: {  	[dreg:$0x6] =	wrdreg s6  }
0xb7: {  	[dreg:$0x7] =	wrdreg $0x9  }
0xb8: {  	_ =	task.clear_ibuf [dreg:s11], $0x8FFFF;
	_ =	strace $0x90000046  }
0xb9: {  	s29 =	simm.s32 $0x9;
	_ =	strace $0x80000048  }
0xba: {  	_ =	swait.ge [sflag:s29], $0x1  }
0xbb: {  	[sflag:s29] =	ssyncadd.s32 $0xFFFFFFFF  }
0xbc: {  	_ =	strace $0x90000048  }
0xbd: {  	_ =	sfence  }
0xbe: {  	s30 =	sld [smem:$0x0];
	_ =	sdelay $0x2  }
0xbf: {  	s31 =	sshll.u32 s1, $0xD;
	s1 =	sshrl.u32 s1, $0x2  }
0xc0: {  	s3 =	sand.u32 $0x4000, s31;
	s1 =	sadd.s32 s1, s30  }
0xc1: {  	s0 =	sor.u32 s3, s0;
	s1 =	sshll.u32 s1, $0x11  }
0xc2: {  	s0 =	sor.u32 s1, s0  }
0xc3: {  	s0 =	sadd.s32 $0x8F2B, s0  }
0xc4: {  	[sflag:s0] =	ssyncadd.remote.s32 $0x1  }
0xc5: {  	_ =	sfence.sel $0xFFFF  }
0xc6: {  	[dreg:$0x0] =	wrdreg $0xFFFFFFFF;
	(pc) =	sbr.abs _section_cstart, $3  }
0xc7: {  	[dreg:$0x1] =	wrdreg $0xFFFFFFFF  }
0xc8: {  	_ =	task.clear_ibuf [dreg:s11], $0x2FFFF;
	_ =	strace $0x9FFFFFFF  }
0xc9: {  	(tm) =	ssettm $0x7FFFFFFF  }
tec
execute0_lowered:
.L_overlay_start_1:
0x0: {  	(tag) =	ssettag $0x1  }
0x1: {  	s0 =	rddreg [dreg:$0x0]  }
0x2: {  	s3 =	rddreg [dreg:$0x1]  }
0x3: {  	s1 =	rddreg [dreg:$0x2]  }
0x4: {  	s2 =	rddreg [dreg:$0x3]  }
0x5: {  	s5 =	rddreg [dreg:$0x4];
	s6 =	srdreg.scid;
	s4 =	simm.s32 $0x0  }
0x6: {  	s7 =	stileid.u32;
	s15 =	simm.s32 $0x9;
	s16 =	simm.s32 $0x80  }
0x7: {  	s17 =	simm.s32 $0x200;
	s18 =	simm.s32 $0x8200;
	s19 =	simm.s32 $0x10200  }
0x8: {  	s20 =	simm.s32 $0x4200;
	s21 =	simm.s32 $0xC200;
	s28 =	simm.s32 $0x100  }
0x9: {  	s29 =	simm.s32 $0x2;
	s30 =	simm.s32 $0x4;
	s6 =	sand.u32 $0x1, s6  }
0xa: {  	s31 =	simm.s32 $0x6;
	s7 =	sshll.u32 s7, $0xA;
	s8 =	sshll.u32 s6, $0x9  }
0xb: {  	[smem:$0x7FF] =	sst s4;
	s6 =	ssub.s32 $0x2, s6;
	s7 =	sor.u32 s8, s7  }
0xc: {  	_ =	strace $0x80000047;
	s22 =	sshrl.u32 s6, $0x1;
	s9 =	sshrl.u32 s7, $0x3  }
0xd: {  	s7 =	sshll.u32 s7, $0x4;
	s6 =	ssub.s32 s6, s22;
	s22 =	simm.s32 $0x14200  }
0xe: {  	s3 =	sadd.s32 s3, s9;
	s23 =	sor.u32 $0x800, s7;
	s24 =	sadd.s32 s0, s7  }
0xf: {  	s12 =	sor.u32 $0x1000, s7;
	s26 =	sadd.s32 s5, s7;
	[dreg:$0x6] =	wrdreg s3  }
0x10: {  	s7 =	sor.u32 $0x1800, s7;
	s14 =	smax.u32 s6, $0x1;
	[dreg:$0x7] =	wrdreg s24  }
0x11: {  	s25 =	sadd.s32 s0, s23;
	[dreg:$0x9] =	wrdreg s26;
	s9 =	sadd.s32 s0, s12  }
0x12: {  	s10 =	sadd.s32 s5, s23;
	s11 =	sadd.s32 s0, s7;
	s12 =	sadd.s32 s5, s12  }
0x13: {  	s13 =	sadd.s32 s5, s7;
	s23 =	simm.s32 $0x1;
	s24 =	simm.s32 $0x3  }
0x14: {  	s26 =	simm.s32 $0x7;
	s0 =	simm.s32 $0x8;
	s3 =	simm.s32 $0x180  }
0x15: {  	s5 =	simm.s32 $0x0;
	[dreg:$0x8] =	wrdreg s25;
	s25 =	simm.s32 $0x5  }
.LBB2_1:
0x16: {  	s6 =	rddreg [dreg:$0x6]  }
0x17: {  	[tilespmem:s4], [sflag:$0x9] =	stream.linear.gather [hbm4b:s6+s4], $0x200, $0x38;
	[tilespmem:$0x18200] =	vst v63  }
0x18: {  	_ =	swait.ge [sflag:s15], $0x200  }
0x19: {  	[sflag:s15] =	ssyncset.done $0x0  }
0x1a: {  	[sflag:s15] =	ssyncadd.s32 $0xFFFFFE00  }
0x1b: {  	[tilespmem:s17], [sflag:$0x1] =	stream.indirect.gather [hbm4b:s1+s16], $0x80, s4, s16, $0xb8;
	[tilespmem:$0x18200] =	vst v63  }
0x1c: {  	_ = 	snop  }
0x1d: {  	[tilespmem:s18], [sflag:$0x3] =	stream.indirect.gather [hbm4b:s2+s16], $0x80, s4, s16, $0xb8;
	[tilespmem:$0x18200] =	vst v63  }
0x1e: {  	s7 =	rddreg [dreg:$0x7]  }
0x1f: {  	[tilespmem:s19], [sflag:$0x5] =	stream.linear.gather [hbm4b:s7+s4], $0x4000, $0x38;
	[tilespmem:$0x18200] =	vst v63  }
0x20: {  	_ = 	snop  }
0x21: {  	[tilespmem:s20], [sflag:$0x2] =	stream.indirect.gather [hbm4b:s1+s16], $0x80, s16, s16, $0xb8;
	[tilespmem:$0x18200] =	vst v63  }
0x22: {  	_ = 	snop  }
0x23: {  	[tilespmem:s21], [sflag:$0x4] =	stream.indirect.gather [hbm4b:s2+s16], $0x80, s16, s16, $0xb8;
	[tilespmem:$0x18200] =	vst v63  }
0x24: {  	s8 =	rddreg [dreg:$0x8]  }
0x25: {  	[tilespmem:s22], [sflag:$0x6] =	stream.linear.gather [hbm4b:s8+s4], $0x4000, $0x38;
	[tilespmem:$0x18200] =	vst v63  }
0x26: {  	_ =	swait.ge [sflag:s23], $0x4000  }
0x27: {  	[sflag:s23] =	ssyncset.done $0x0  }
0x28: {  	[sflag:s23] =	ssyncadd.s32 $0xFFFFC000  }
0x29: {  	_ =	swait.ge [sflag:s24], $0x4000  }
0x2a: {  	[sflag:s24] =	ssyncset.done $0x0  }
0x2b: {  	[sflag:s24] =	ssyncadd.s32 $0xFFFFC000  }
0x2c: {  	_ =	swait.ge [sflag:s25], $0x4000  }
0x2d: {  	[sflag:s25] =	ssyncset.done $0x0  }
0x2e: {  	s6 =	simm.s32 $0x0;
	[sflag:s25] =	ssyncadd.s32 $0xFFFFC000  }
0x2f: {  	v5 =	vld [tilespmem:s6+$0x8200]  }
0x30: {  	v4 =	vld [tilespmem:s6+$0x8210]  }
0x31: {  	v3 =	vld [tilespmem:s6+$0x8220]  }
0x32: {  	v2 =	vld [tilespmem:s6+$0x8230]  }
0x33: {  	v1 =	vld [tilespmem:s6+$0x8240]  }
0x34: {  	v0 =	vld [tilespmem:s6+$0x8250]  }
0x35: {  	v12 =	vld [tilespmem:s6+$0x200]  }
0x36: {  	v17 =	vld [tilespmem:s6+$0x210]  }
0x37: {  	v11 =	vld [tilespmem:s6+$0x220]  }
0x38: {  	v10 =	vld [tilespmem:s6+$0x230]  }
0x39: {  	v9 =	vld [tilespmem:s6+$0x240]  }
0x3a: {  	v8 =	vld [tilespmem:s6+$0x250]  }
0x3b: {  	v7 =	vld [tilespmem:s6+$0x260]  }
0x3c: {  	v6 =	vld [tilespmem:s6+$0x270]  }
0x3d: {  	v18 =	vld [tilespmem:s6+$0x10200]  }
0x3e: {  	v19 =	vld [tilespmem:s6+$0x10210]  }
0x3f: {  	v16 =	vld [tilespmem:s6+$0x10220]  }
0x40: {  	v15 =	vld [tilespmem:s6+$0x10230]  }
0x41: {  	v14 =	vld [tilespmem:s6+$0x10240]  }
0x42: {  	v13 =	vld [tilespmem:s6+$0x10250];
	v18 =	vmul.f32 v18, v12  }
0x43: {  	s7 =	simm.s32 $0x200;
	v17 =	vmul.f32 v19, v17;
	v12 =	vld [tilespmem:s6+$0x10260]  }
.LBB2_2:
0x44: {  	p0 =	sne.s32 s7, $0xFE00;
	v5 =	vadd.f32 v5, v18;
	v11 =	vmul.f32 v16, v11;
	v16 =	vld [tilespmem:s6+$0x10270]  }
0x45: {  	v4 =	vadd.f32 v4, v17;
	v10 =	vmul.f32 v15, v10;
	v15 =	vld [tilespmem:s6+$0x8260]  }
0x46: {  	s8 =	sshra.s32 s7, $0x2;
	[tilespmem:s6+$0x10200] =	vst v5;
	v3 =	vadd.f32 v3, v11;
	v9 =	vmul.f32 v14, v9;
	v11 =	vld [tilespmem:s6+$0x8270]  }
0x47: {  	v5 =	vld [tilespmem:s8+$0x8200];
	[tilespmem:s6+$0x10210] =	vst v4;
	v2 =	vadd.f32 v2, v10;
	v8 =	vmul.f32 v13, v8  }
0x48: {  	v4 =	vld [tilespmem:s8+$0x8210];
	[tilespmem:s6+$0x10220] =	vst v3;
	v1 =	vadd.f32 v1, v9;
	v7 =	vmul.f32 v12, v7  }
0x49: {  	v3 =	vld [tilespmem:s8+$0x8220];
	[tilespmem:s6+$0x10230] =	vst v2;
	v0 =	vadd.f32 v0, v8;
	v6 =	vmul.f32 v16, v6  }
0x4a: {  	v2 =	vld [tilespmem:s8+$0x8230];
	[tilespmem:s6+$0x10240] =	vst v1;
	v7 =	vadd.f32 v15, v7  }
0x4b: {  	v1 =	vld [tilespmem:s8+$0x8240];
	[tilespmem:s6+$0x10250] =	vst v0;
	v6 =	vadd.f32 v11, v6  }
0x4c: {  	v0 =	vld [tilespmem:s8+$0x8250];
	[tilespmem:s6+$0x10260] =	vst v7  }
0x4d: {  	v12 =	vld [tilespmem:s8+$0x200];
	[tilespmem:s6+$0x10270] =	vst v6;
	s6 =	smov.u32 s8  }
0x4e: {  	v17 =	vld [tilespmem:s6+$0x210]  }
0x4f: {  	v11 =	vld [tilespmem:s6+$0x220]  }
0x50: {  	v10 =	vld [tilespmem:s6+$0x230]  }
0x51: {  	v9 =	vld [tilespmem:s6+$0x240]  }
0x52: {  	v8 =	vld [tilespmem:s6+$0x250]  }
0x53: {  	v7 =	vld [tilespmem:s6+$0x260]  }
0x54: {  	v6 =	vld [tilespmem:s6+$0x270]  }
0x55: {  	v13 =	vld [tilespmem:s6+$0x10200]  }
0x56: {  	v19 =	vld [tilespmem:s6+$0x10210]  }
.Ltmp0:
0x57: {  	v16 =	vld [tilespmem:s6+$0x10220];
	(pc) =	sbr.rel @p0 .LBB2_2-.Ltmp0, $4  }
0x58: {  	v15 =	vld [tilespmem:s6+$0x10230]  }
0x59: {  	v14 =	vld [tilespmem:s6+$0x10240]  }
0x5a: {  	v18 =	vmul.f32 v13, v12;
	v13 =	vld [tilespmem:s6+$0x10250]  }
0x5b: {  	s7 =	sadd.s32 $0x200, s7;
	v17 =	vmul.f32 v19, v17;
	v12 =	vld [tilespmem:s6+$0x10260]  }
0x5c: {  	v5 =	vadd.f32 v5, v18;
	v18 =	vld [tilespmem:s6+$0x10270];
	v11 =	vmul.f32 v16, v11  }
0x5d: {  	v16 =	vld [tilespmem:s6+$0x8260];
	v4 =	vadd.f32 v4, v17;
	v10 =	vmul.f32 v15, v10  }
0x5e: {  	[tilespmem:s6+$0x10200] =	vst v5;
	v3 =	vadd.f32 v3, v11;
	v5 =	vmul.f32 v14, v9;
	v9 =	vld [tilespmem:s6+$0x8270]  }
0x5f: {  	[tilespmem:s6+$0x10210] =	vst v4;
	v2 =	vadd.f32 v2, v10;
	v4 =	vmul.f32 v13, v8  }
0x60: {  	[tilespmem:s6+$0x10220] =	vst v3;
	v1 =	vadd.f32 v1, v5;
	v3 =	vmul.f32 v12, v7  }
0x61: {  	[tilespmem:s6+$0x10230] =	vst v2;
	v0 =	vadd.f32 v0, v4;
	v2 =	vmul.f32 v18, v6  }
0x62: {  	[tilespmem:s6+$0x10240] =	vst v1;
	v1 =	vadd.f32 v16, v3  }
0x63: {  	[tilespmem:s6+$0x10250] =	vst v0;
	v0 =	vadd.f32 v9, v2  }
0x64: {  	[tilespmem:s6+$0x10260] =	vst v1  }
0x65: {  	s8 =	simm.s32 $0x0;
	s7 =	rddreg [dreg:$0x9];
	[tilespmem:s6+$0x10270] =	vst v0  }
0x66: {  	[hbm4b:s7+s8] =	stream.linear.scatter [tilespmem:s19], [sflag:$0x7], $0x4000, $0x38;
	[tilespmem:$0x18200] =	vst v63  }
0x67: {  	_ =	swait.ge [sflag:s26], $0x4000  }
0x68: {  	[sflag:s26] =	ssyncset.done $0x0  }
0x69: {  	[sflag:s26] =	ssyncadd.s32 $0xFFFFC000  }
0x6a: {  	[tilespmem:s17], [sflag:$0x1] =	stream.indirect.gather [hbm4b:s1+s16], $0x80, s28, s16, $0xb8;
	[tilespmem:$0x18200] =	vst v63  }
0x6b: {  	_ = 	snop  }
0x6c: {  	[tilespmem:s18], [sflag:$0x3] =	stream.indirect.gather [hbm4b:s2+s16], $0x80, s28, s16, $0xb8;
	[tilespmem:$0x18200] =	vst v63  }
0x6d: {  	_ = 	snop  }
0x6e: {  	[tilespmem:s19], [sflag:$0x5] =	stream.linear.gather [hbm4b:s9+s8], $0x4000, $0x38;
	[tilespmem:$0x18200] =	vst v63  }
0x6f: {  	_ =	swait.ge [sflag:s29], $0x4000  }
0x70: {  	[sflag:s29] =	ssyncset.done $0x0  }
0x71: {  	[sflag:s29] =	ssyncadd.s32 $0xFFFFC000  }
0x72: {  	_ =	swait.ge [sflag:s30], $0x4000  }
0x73: {  	[sflag:s30] =	ssyncset.done $0x0  }
0x74: {  	[sflag:s30] =	ssyncadd.s32 $0xFFFFC000  }
0x75: {  	_ =	swait.ge [sflag:s31], $0x4000  }
0x76: {  	[sflag:s31] =	ssyncset.done $0x0  }
0x77: {  	s6 =	simm.s32 $0x0;
	[sflag:s31] =	ssyncadd.s32 $0xFFFFC000  }
0x78: {  	v5 =	vld [tilespmem:s6+$0xC200]  }
0x79: {  	v4 =	vld [tilespmem:s6+$0xC210]  }
0x7a: {  	v3 =	vld [tilespmem:s6+$0xC220]  }
0x7b: {  	v2 =	vld [tilespmem:s6+$0xC230]  }
0x7c: {  	v1 =	vld [tilespmem:s6+$0xC240]  }
0x7d: {  	v0 =	vld [tilespmem:s6+$0xC250]  }
0x7e: {  	v12 =	vld [tilespmem:s6+$0x4200]  }
0x7f: {  	v17 =	vld [tilespmem:s6+$0x4210]  }
0x80: {  	v11 =	vld [tilespmem:s6+$0x4220]  }
0x81: {  	v10 =	vld [tilespmem:s6+$0x4230]  }
0x82: {  	v9 =	vld [tilespmem:s6+$0x4240]  }
0x83: {  	v8 =	vld [tilespmem:s6+$0x4250]  }
0x84: {  	v7 =	vld [tilespmem:s6+$0x4260]  }
0x85: {  	v6 =	vld [tilespmem:s6+$0x4270]  }
0x86: {  	v18 =	vld [tilespmem:s6+$0x14200]  }
0x87: {  	v19 =	vld [tilespmem:s6+$0x14210]  }
0x88: {  	v16 =	vld [tilespmem:s6+$0x14220]  }
0x89: {  	v15 =	vld [tilespmem:s6+$0x14230]  }
0x8a: {  	v14 =	vld [tilespmem:s6+$0x14240]  }
0x8b: {  	v13 =	vld [tilespmem:s6+$0x14250];
	v18 =	vmul.f32 v18, v12  }
0x8c: {  	s7 =	simm.s32 $0x200;
	v17 =	vmul.f32 v19, v17;
	v12 =	vld [tilespmem:s6+$0x14260]  }
.LBB2_4:
0x8d: {  	p0 =	sne.s32 s7, $0xFE00;
	v5 =	vadd.f32 v5, v18;
	v11 =	vmul.f32 v16, v11;
	v16 =	vld [tilespmem:s6+$0x14270]  }
0x8e: {  	v4 =	vadd.f32 v4, v17;
	v10 =	vmul.f32 v15, v10;
	v15 =	vld [tilespmem:s6+$0xC260]  }
0x8f: {  	s8 =	sshra.s32 s7, $0x2;
	[tilespmem:s6+$0x14200] =	vst v5;
	v3 =	vadd.f32 v3, v11;
	v9 =	vmul.f32 v14, v9;
	v11 =	vld [tilespmem:s6+$0xC270]  }
0x90: {  	v5 =	vld [tilespmem:s8+$0xC200];
	[tilespmem:s6+$0x14210] =	vst v4;
	v2 =	vadd.f32 v2, v10;
	v8 =	vmul.f32 v13, v8  }
0x91: {  	v4 =	vld [tilespmem:s8+$0xC210];
	[tilespmem:s6+$0x14220] =	vst v3;
	v1 =	vadd.f32 v1, v9;
	v7 =	vmul.f32 v12, v7  }
0x92: {  	v3 =	vld [tilespmem:s8+$0xC220];
	[tilespmem:s6+$0x14230] =	vst v2;
	v0 =	vadd.f32 v0, v8;
	v6 =	vmul.f32 v16, v6  }
0x93: {  	v2 =	vld [tilespmem:s8+$0xC230];
	[tilespmem:s6+$0x14240] =	vst v1;
	v7 =	vadd.f32 v15, v7  }
0x94: {  	v1 =	vld [tilespmem:s8+$0xC240];
	[tilespmem:s6+$0x14250] =	vst v0;
	v6 =	vadd.f32 v11, v6  }
0x95: {  	v0 =	vld [tilespmem:s8+$0xC250];
	[tilespmem:s6+$0x14260] =	vst v7  }
0x96: {  	v12 =	vld [tilespmem:s8+$0x4200];
	[tilespmem:s6+$0x14270] =	vst v6;
	s6 =	smov.u32 s8  }
0x97: {  	v17 =	vld [tilespmem:s6+$0x4210]  }
0x98: {  	v11 =	vld [tilespmem:s6+$0x4220]  }
0x99: {  	v10 =	vld [tilespmem:s6+$0x4230]  }
0x9a: {  	v9 =	vld [tilespmem:s6+$0x4240]  }
0x9b: {  	v8 =	vld [tilespmem:s6+$0x4250]  }
0x9c: {  	v7 =	vld [tilespmem:s6+$0x4260]  }
0x9d: {  	v6 =	vld [tilespmem:s6+$0x4270]  }
0x9e: {  	v13 =	vld [tilespmem:s6+$0x14200]  }
0x9f: {  	v19 =	vld [tilespmem:s6+$0x14210]  }
.Ltmp1:
0xa0: {  	v16 =	vld [tilespmem:s6+$0x14220];
	(pc) =	sbr.rel @p0 .LBB2_4-.Ltmp1, $4  }
0xa1: {  	v15 =	vld [tilespmem:s6+$0x14230]  }
0xa2: {  	v14 =	vld [tilespmem:s6+$0x14240]  }
0xa3: {  	v18 =	vmul.f32 v13, v12;
	v13 =	vld [tilespmem:s6+$0x14250]  }
0xa4: {  	s7 =	sadd.s32 $0x200, s7;
	v17 =	vmul.f32 v19, v17;
	v12 =	vld [tilespmem:s6+$0x14260]  }
0xa5: {  	v5 =	vadd.f32 v5, v18;
	v18 =	vld [tilespmem:s6+$0x14270];
	v11 =	vmul.f32 v16, v11  }
0xa6: {  	v16 =	vld [tilespmem:s6+$0xC260];
	v4 =	vadd.f32 v4, v17;
	v10 =	vmul.f32 v15, v10  }
0xa7: {  	[tilespmem:s6+$0x14200] =	vst v5;
	v3 =	vadd.f32 v3, v11;
	v5 =	vmul.f32 v14, v9;
	v9 =	vld [tilespmem:s6+$0xC270]  }
0xa8: {  	[tilespmem:s6+$0x14210] =	vst v4;
	v2 =	vadd.f32 v2, v10;
	v4 =	vmul.f32 v13, v8  }
0xa9: {  	[tilespmem:s6+$0x14220] =	vst v3;
	v1 =	vadd.f32 v1, v5;
	v3 =	vmul.f32 v12, v7  }
0xaa: {  	[tilespmem:s6+$0x14230] =	vst v2;
	v0 =	vadd.f32 v0, v4;
	v2 =	vmul.f32 v18, v6  }
0xab: {  	[tilespmem:s6+$0x14240] =	vst v1;
	v1 =	vadd.f32 v16, v3  }
0xac: {  	[tilespmem:s6+$0x14250] =	vst v0;
	v0 =	vadd.f32 v9, v2  }
0xad: {  	[tilespmem:s6+$0x14260] =	vst v1  }
0xae: {  	s8 =	simm.s32 $0x0;
	[tilespmem:s6+$0x14270] =	vst v0  }
0xaf: {  	[hbm4b:s10+s8] =	stream.linear.scatter [tilespmem:s22], [sflag:$0x8], $0x4000, $0x38;
	[tilespmem:$0x18200] =	vst v63  }
0xb0: {  	_ =	swait.ge [sflag:s0], $0x4000  }
0xb1: {  	[sflag:s0] =	ssyncset.done $0x0  }
0xb2: {  	[sflag:s0] =	ssyncadd.s32 $0xFFFFC000  }
0xb3: {  	[tilespmem:s20], [sflag:$0x2] =	stream.indirect.gather [hbm4b:s1+s16], $0x80, s3, s16, $0xb8;
	[tilespmem:$0x18200] =	vst v63  }
0xb4: {  	_ = 	snop  }
0xb5: {  	[tilespmem:s21], [sflag:$0x4] =	stream.indirect.gather [hbm4b:s2+s16], $0x80, s3, s16, $0xb8;
	[tilespmem:$0x18200] =	vst v63  }
0xb6: {  	_ = 	snop  }
0xb7: {  	[tilespmem:s22], [sflag:$0x6] =	stream.linear.gather [hbm4b:s11+s8], $0x4000, $0x38;
	[tilespmem:$0x18200] =	vst v63  }
0xb8: {  	_ =	swait.ge [sflag:s23], $0x4000  }
0xb9: {  	[sflag:s23] =	ssyncset.done $0x0  }
0xba: {  	[sflag:s23] =	ssyncadd.s32 $0xFFFFC000  }
0xbb: {  	_ =	swait.ge [sflag:s24], $0x4000  }
0xbc: {  	[sflag:s24] =	ssyncset.done $0x0  }
0xbd: {  	[sflag:s24] =	ssyncadd.s32 $0xFFFFC000  }
0xbe: {  	_ =	swait.ge [sflag:s25], $0x4000  }
0xbf: {  	[sflag:s25] =	ssyncset.done $0x0  }
0xc0: {  	s6 =	simm.s32 $0x0;
	[sflag:s25] =	ssyncadd.s32 $0xFFFFC000  }
0xc1: {  	v5 =	vld [tilespmem:s6+$0x8200]  }
0xc2: {  	v4 =	vld [tilespmem:s6+$0x8210]  }
0xc3: {  	v3 =	vld [tilespmem:s6+$0x8220]  }
0xc4: {  	v2 =	vld [tilespmem:s6+$0x8230]  }
0xc5: {  	v1 =	vld [tilespmem:s6+$0x8240]  }
0xc6: {  	v0 =	vld [tilespmem:s6+$0x8250]  }
0xc7: {  	v12 =	vld [tilespmem:s6+$0x200]  }
0xc8: {  	v17 =	vld [tilespmem:s6+$0x210]  }
0xc9: {  	v11 =	vld [tilespmem:s6+$0x220]  }
0xca: {  	v10 =	vld [tilespmem:s6+$0x230]  }
0xcb: {  	v9 =	vld [tilespmem:s6+$0x240]  }
0xcc: {  	v8 =	vld [tilespmem:s6+$0x250]  }
0xcd: {  	v7 =	vld [tilespmem:s6+$0x260]  }
0xce: {  	v6 =	vld [tilespmem:s6+$0x270]  }
0xcf: {  	v18 =	vld [tilespmem:s6+$0x10200]  }
0xd0: {  	v19 =	vld [tilespmem:s6+$0x10210]  }
0xd1: {  	v16 =	vld [tilespmem:s6+$0x10220]  }
0xd2: {  	v15 =	vld [tilespmem:s6+$0x10230]  }
0xd3: {  	v14 =	vld [tilespmem:s6+$0x10240]  }
0xd4: {  	v13 =	vld [tilespmem:s6+$0x10250];
	v18 =	vmul.f32 v18, v12  }
0xd5: {  	s7 =	simm.s32 $0x200;
	v17 =	vmul.f32 v19, v17;
	v12 =	vld [tilespmem:s6+$0x10260]  }
.LBB2_6:
0xd6: {  	p0 =	sne.s32 s7, $0xFE00;
	v5 =	vadd.f32 v5, v18;
	v11 =	vmul.f32 v16, v11;
	v16 =	vld [tilespmem:s6+$0x10270]  }
0xd7: {  	v4 =	vadd.f32 v4, v17;
	v10 =	vmul.f32 v15, v10;
	v15 =	vld [tilespmem:s6+$0x8260]  }
0xd8: {  	s8 =	sshra.s32 s7, $0x2;
	[tilespmem:s6+$0x10200] =	vst v5;
	v3 =	vadd.f32 v3, v11;
	v9 =	vmul.f32 v14, v9;
	v11 =	vld [tilespmem:s6+$0x8270]  }
0xd9: {  	v5 =	vld [tilespmem:s8+$0x8200];
	[tilespmem:s6+$0x10210] =	vst v4;
	v2 =	vadd.f32 v2, v10;
	v8 =	vmul.f32 v13, v8  }
0xda: {  	v4 =	vld [tilespmem:s8+$0x8210];
	[tilespmem:s6+$0x10220] =	vst v3;
	v1 =	vadd.f32 v1, v9;
	v7 =	vmul.f32 v12, v7  }
0xdb: {  	v3 =	vld [tilespmem:s8+$0x8220];
	[tilespmem:s6+$0x10230] =	vst v2;
	v0 =	vadd.f32 v0, v8;
	v6 =	vmul.f32 v16, v6  }
0xdc: {  	v2 =	vld [tilespmem:s8+$0x8230];
	[tilespmem:s6+$0x10240] =	vst v1;
	v7 =	vadd.f32 v15, v7  }
0xdd: {  	v1 =	vld [tilespmem:s8+$0x8240];
	[tilespmem:s6+$0x10250] =	vst v0;
	v6 =	vadd.f32 v11, v6  }
0xde: {  	v0 =	vld [tilespmem:s8+$0x8250];
	[tilespmem:s6+$0x10260] =	vst v7  }
0xdf: {  	v12 =	vld [tilespmem:s8+$0x200];
	[tilespmem:s6+$0x10270] =	vst v6;
	s6 =	smov.u32 s8  }
0xe0: {  	v17 =	vld [tilespmem:s6+$0x210]  }
0xe1: {  	v11 =	vld [tilespmem:s6+$0x220]  }
0xe2: {  	v10 =	vld [tilespmem:s6+$0x230]  }
0xe3: {  	v9 =	vld [tilespmem:s6+$0x240]  }
0xe4: {  	v8 =	vld [tilespmem:s6+$0x250]  }
0xe5: {  	v7 =	vld [tilespmem:s6+$0x260]  }
0xe6: {  	v6 =	vld [tilespmem:s6+$0x270]  }
0xe7: {  	v13 =	vld [tilespmem:s6+$0x10200]  }
0xe8: {  	v19 =	vld [tilespmem:s6+$0x10210]  }
.Ltmp2:
0xe9: {  	v16 =	vld [tilespmem:s6+$0x10220];
	(pc) =	sbr.rel @p0 .LBB2_6-.Ltmp2, $4  }
0xea: {  	v15 =	vld [tilespmem:s6+$0x10230]  }
0xeb: {  	v14 =	vld [tilespmem:s6+$0x10240]  }
0xec: {  	v18 =	vmul.f32 v13, v12;
	v13 =	vld [tilespmem:s6+$0x10250]  }
0xed: {  	s7 =	sadd.s32 $0x200, s7;
	v17 =	vmul.f32 v19, v17;
	v12 =	vld [tilespmem:s6+$0x10260]  }
0xee: {  	v5 =	vadd.f32 v5, v18;
	v18 =	vld [tilespmem:s6+$0x10270];
	v11 =	vmul.f32 v16, v11  }
0xef: {  	v16 =	vld [tilespmem:s6+$0x8260];
	v4 =	vadd.f32 v4, v17;
	v10 =	vmul.f32 v15, v10  }
0xf0: {  	[tilespmem:s6+$0x10200] =	vst v5;
	v3 =	vadd.f32 v3, v11;
	v5 =	vmul.f32 v14, v9;
	v9 =	vld [tilespmem:s6+$0x8270]  }
0xf1: {  	[tilespmem:s6+$0x10210] =	vst v4;
	v2 =	vadd.f32 v2, v10;
	v4 =	vmul.f32 v13, v8  }
0xf2: {  	[tilespmem:s6+$0x10220] =	vst v3;
	v1 =	vadd.f32 v1, v5;
	v3 =	vmul.f32 v12, v7  }
0xf3: {  	[tilespmem:s6+$0x10230] =	vst v2;
	v0 =	vadd.f32 v0, v4;
	v2 =	vmul.f32 v18, v6  }
0xf4: {  	[tilespmem:s6+$0x10240] =	vst v1;
	v1 =	vadd.f32 v16, v3  }
0xf5: {  	[tilespmem:s6+$0x10250] =	vst v0;
	v0 =	vadd.f32 v9, v2  }
0xf6: {  	[tilespmem:s6+$0x10260] =	vst v1  }
0xf7: {  	s8 =	simm.s32 $0x0;
	[tilespmem:s6+$0x10270] =	vst v0  }
0xf8: {  	[hbm4b:s12+s8] =	stream.linear.scatter [tilespmem:s19], [sflag:$0x7], $0x4000, $0x38;
	[tilespmem:$0x18200] =	vst v63  }
0xf9: {  	_ =	swait.ge [sflag:s29], $0x4000  }
0xfa: {  	[sflag:s29] =	ssyncset.done $0x0  }
0xfb: {  	[sflag:s29] =	ssyncadd.s32 $0xFFFFC000  }
0xfc: {  	_ =	swait.ge [sflag:s30], $0x4000  }
0xfd: {  	[sflag:s30] =	ssyncset.done $0x0  }
0xfe: {  	[sflag:s30] =	ssyncadd.s32 $0xFFFFC000  }
0xff: {  	_ =	swait.ge [sflag:s31], $0x4000  }
0x100: {  	[sflag:s31] =	ssyncset.done $0x0  }
0x101: {  	s6 =	simm.s32 $0x0;
	[sflag:s31] =	ssyncadd.s32 $0xFFFFC000  }
0x102: {  	v5 =	vld [tilespmem:s6+$0xC200]  }
0x103: {  	v4 =	vld [tilespmem:s6+$0xC210]  }
0x104: {  	v3 =	vld [tilespmem:s6+$0xC220]  }
0x105: {  	v2 =	vld [tilespmem:s6+$0xC230]  }
0x106: {  	v1 =	vld [tilespmem:s6+$0xC240]  }
0x107: {  	v0 =	vld [tilespmem:s6+$0xC250]  }
0x108: {  	v12 =	vld [tilespmem:s6+$0x4200]  }
0x109: {  	v17 =	vld [tilespmem:s6+$0x4210]  }
0x10a: {  	v11 =	vld [tilespmem:s6+$0x4220]  }
0x10b: {  	v10 =	vld [tilespmem:s6+$0x4230]  }
0x10c: {  	v9 =	vld [tilespmem:s6+$0x4240]  }
0x10d: {  	v8 =	vld [tilespmem:s6+$0x4250]  }
0x10e: {  	v7 =	vld [tilespmem:s6+$0x4260]  }
0x10f: {  	v6 =	vld [tilespmem:s6+$0x4270]  }
0x110: {  	v18 =	vld [tilespmem:s6+$0x14200]  }
0x111: {  	v19 =	vld [tilespmem:s6+$0x14210]  }
0x112: {  	v16 =	vld [tilespmem:s6+$0x14220]  }
0x113: {  	v15 =	vld [tilespmem:s6+$0x14230]  }
0x114: {  	v14 =	vld [tilespmem:s6+$0x14240]  }
0x115: {  	v13 =	vld [tilespmem:s6+$0x14250];
	v18 =	vmul.f32 v18, v12  }
0x116: {  	s7 =	simm.s32 $0x200;
	v17 =	vmul.f32 v19, v17;
	v12 =	vld [tilespmem:s6+$0x14260]  }
.LBB2_8:
0x117: {  	p0 =	sne.s32 s7, $0xFE00;
	v5 =	vadd.f32 v5, v18;
	v11 =	vmul.f32 v16, v11;
	v16 =	vld [tilespmem:s6+$0x14270]  }
0x118: {  	v4 =	vadd.f32 v4, v17;
	v10 =	vmul.f32 v15, v10;
	v15 =	vld [tilespmem:s6+$0xC260]  }
0x119: {  	s8 =	sshra.s32 s7, $0x2;
	[tilespmem:s6+$0x14200] =	vst v5;
	v3 =	vadd.f32 v3, v11;
	v9 =	vmul.f32 v14, v9;
	v11 =	vld [tilespmem:s6+$0xC270]  }
0x11a: {  	v5 =	vld [tilespmem:s8+$0xC200];
	[tilespmem:s6+$0x14210] =	vst v4;
	v2 =	vadd.f32 v2, v10;
	v8 =	vmul.f32 v13, v8  }
0x11b: {  	v4 =	vld [tilespmem:s8+$0xC210];
	[tilespmem:s6+$0x14220] =	vst v3;
	v1 =	vadd.f32 v1, v9;
	v7 =	vmul.f32 v12, v7  }
0x11c: {  	v3 =	vld [tilespmem:s8+$0xC220];
	[tilespmem:s6+$0x14230] =	vst v2;
	v0 =	vadd.f32 v0, v8;
	v6 =	vmul.f32 v16, v6  }
0x11d: {  	v2 =	vld [tilespmem:s8+$0xC230];
	[tilespmem:s6+$0x14240] =	vst v1;
	v7 =	vadd.f32 v15, v7  }
0x11e: {  	v1 =	vld [tilespmem:s8+$0xC240];
	[tilespmem:s6+$0x14250] =	vst v0;
	v6 =	vadd.f32 v11, v6  }
0x11f: {  	v0 =	vld [tilespmem:s8+$0xC250];
	[tilespmem:s6+$0x14260] =	vst v7  }
0x120: {  	v12 =	vld [tilespmem:s8+$0x4200];
	[tilespmem:s6+$0x14270] =	vst v6;
	s6 =	smov.u32 s8  }
0x121: {  	v17 =	vld [tilespmem:s6+$0x4210]  }
0x122: {  	v11 =	vld [tilespmem:s6+$0x4220]  }
0x123: {  	v10 =	vld [tilespmem:s6+$0x4230]  }
0x124: {  	v9 =	vld [tilespmem:s6+$0x4240]  }
0x125: {  	v8 =	vld [tilespmem:s6+$0x4250]  }
0x126: {  	v7 =	vld [tilespmem:s6+$0x4260]  }
0x127: {  	v6 =	vld [tilespmem:s6+$0x4270]  }
0x128: {  	v13 =	vld [tilespmem:s6+$0x14200]  }
0x129: {  	v19 =	vld [tilespmem:s6+$0x14210]  }
.Ltmp3:
0x12a: {  	v16 =	vld [tilespmem:s6+$0x14220];
	(pc) =	sbr.rel @p0 .LBB2_8-.Ltmp3, $4  }
0x12b: {  	v15 =	vld [tilespmem:s6+$0x14230]  }
0x12c: {  	v14 =	vld [tilespmem:s6+$0x14240]  }
0x12d: {  	v18 =	vmul.f32 v13, v12;
	v13 =	vld [tilespmem:s6+$0x14250]  }
0x12e: {  	s7 =	sadd.s32 $0x200, s7;
	v17 =	vmul.f32 v19, v17;
	v12 =	vld [tilespmem:s6+$0x14260]  }
0x12f: {  	v5 =	vadd.f32 v5, v18;
	v55 =	vld [tilespmem:s6+$0x14270];
	v11 =	vmul.f32 v16, v11  }
0x130: {  	v56 =	vld [tilespmem:s6+$0xC260];
	v4 =	vadd.f32 v4, v17;
	v10 =	vmul.f32 v15, v10  }
0x131: {  	v58 =	vld [tilespmem:s6+$0xC270];
	[tilespmem:s6+$0x14200] =	vst v5;
	v3 =	vadd.f32 v3, v11;
	v57 =	vmul.f32 v14, v9  }
0x132: {  	[tilespmem:s6+$0x14210] =	vst v4;
	v2 =	vadd.f32 v2, v10;
	v59 =	vmul.f32 v13, v8  }
0x133: {  	[tilespmem:s6+$0x14220] =	vst v3;
	v1 =	vadd.f32 v1, v57;
	v60 =	vmul.f32 v12, v7  }
0x134: {  	[tilespmem:s6+$0x14230] =	vst v2;
	v0 =	vadd.f32 v0, v59;
	v61 =	vmul.f32 v55, v6  }
0x135: {  	[tilespmem:s6+$0x14240] =	vst v1;
	v62 =	vadd.f32 v56, v60  }
0x136: {  	[tilespmem:s6+$0x14250] =	vst v0;
	v63 =	vadd.f32 v58, v61  }
0x137: {  	[tilespmem:s6+$0x14260] =	vst v62  }
0x138: {  	s5 =	sadd.s32 $0x1, s5;
	[tilespmem:s6+$0x14270] =	vst v63  }
0x139: {  	[hbm4b:s13+s4] =	stream.linear.scatter [tilespmem:s22], [sflag:$0x8], $0x4000, $0x38;
	[tilespmem:$0x18200] =	vst v63  }
0x13a: {  	p0 =	sne.s32 s5, s14;
	_ =	swait.ge [sflag:s26], $0x4000  }
.Ltmp4:
0x13b: {  	[sflag:s26] =	ssyncset.done $0x0;
	(pc) =	sbr.rel @p0 .LBB2_1-.Ltmp4, $4  }
0x13c: {  	[sflag:s26] =	ssyncadd.s32 $0xFFFFC000  }
0x13d: {  	_ =	swait.ge [sflag:s0], $0x4000  }
0x13e: {  	[sflag:s0] =	ssyncset.done $0x0  }
0x13f: {  	[sflag:s0] =	ssyncadd.s32 $0xFFFFC000  }
0x140: {  	_ =	sfence.sel $0x180000  }
0x141: {  	[bflag:$0x0] =	sbarrier.arrive $0xFFFF  }
0x142: {  	_ =	strace $0x90000047  }
0x143: {  	s0 =	stileid.u32;
	[bflag:$0x2] =	sbarrier.arrive $0xFFFF  }
0x144: {  	p0 =	sne.s32 s0, $0x0;
	s0 =	rddreg [dreg:$0x5]  }
0x145: {  	s0 =	sadd.s32 @!p0 $0x100000, s0  }
0x146: {  	[sflag:s0] =	ssyncadd.tile.s32 @!p0 $0x1;
	_ =	shalt  }
.Lfunc_end2:
_tile_overlayer_lowered:
.L_overlay_start_2:
0x147: {  	(tag) =	ssettag $0x2  }
0x148: {  	s0 =	rddreg [dreg:$0x0];
	s2 =	stileid.u32  }
0x149: {  	s1 =	rddreg [dreg:$0x1];
	p0 =	sne.s32 s2, $0x0  }
0x14a: {  	s3 =	rddreg [dreg:$0x2];
	[bflag:$0x3] =	sbarrier.arrive $0xFFFF;
	s2 =	simm.s32 @!p0 $0x1C09  }
0x14b: {  	[timem:s3], [sflag:s2] =	dma.local @!p0 [hbm:s0], s1  }
0x14c: {  	s0 =	simm.s32 @!p0 $0x9  }
0x14d: {  	_ =	swait.ge @!p0 [sflag:s0], s1  }
0x14e: {  	s1 =	ssub.s32 @!p0 $0x0, s1;
	[sflag:s0] =	ssyncset.done @!p0 $0x0  }
0x14f: {  	[sflag:s0] =	ssyncadd.s32 @!p0 s1  }
0x150: {  	[bflag:$0x3] =	sbarrier.arrive $0xFFFF  }
0x151: {  	_ =	shalt  }

</sc_bundles>
